<compile_context>
chip_gen: v7x
topology: tpu7x:2x2x1
jax: 0.10.2.dev20260603
libtpu: 0.0.44.dev20260713+nightly
codegen_flags: <defaults>
</compile_context>

<pallas_src>
import functools

import jax
import jax.numpy as jnp
from jax import lax
from jax.experimental import pallas as pl
from jax.experimental.pallas import tpu as pltpu
from jax.experimental.pallas import tpu_sc as plsc

BATCH = 16384
NUM_CLASSES = 1000
LANES = 16
FULL_GROUPS = NUM_CLASSES // LANES
TAIL = NUM_CLASSES - FULL_GROUPS * LANES

TC_ROWS = 12288
BLOCK_M = 1024
TC_BLOCKS = TC_ROWS // BLOCK_M

SC_ROWS = BATCH - TC_ROWS
NUM_CORES = 2
NUM_SUBCORES = 16
NUM_WORKERS = NUM_CORES * NUM_SUBCORES
ROWS_PER_W = SC_ROWS // NUM_WORKERS
CHUNK = 32
NCHUNK = ROWS_PER_W // CHUNK
NBUF = 2


def _tc_onehot(xs_ref, out_ref):
    ids = xs_ref[0, 0, :].astype(jnp.int32).reshape(BLOCK_M, 1)
    cols = jax.lax.broadcasted_iota(jnp.int32, (BLOCK_M, NUM_CLASSES), 1)
    out_ref[...] = (cols == ids).astype(jnp.float32)


_mesh = plsc.VectorSubcoreMesh(
    core_axis_name="c", subcore_axis_name="s", num_cores=NUM_CORES
)


@functools.partial(
    pl.kernel,
    mesh=_mesh,
    compiler_params=pltpu.CompilerParams(needs_layout_passes=False),
    out_type=jax.ShapeDtypeStruct((SC_ROWS, NUM_CLASSES), jnp.float32),
    scratch_types=[
        pltpu.VMEM((ROWS_PER_W,), jnp.int32),
        pltpu.VMEM((NBUF, CHUNK, NUM_CLASSES), jnp.float32),
        pltpu.SemaphoreType.DMA((NBUF,)),
    ],
)
def _sc_onehot(xs_hbm, out_hbm, idx_v, buf, sems):
    wid = lax.axis_index("s") * NUM_CORES + lax.axis_index("c")
    base = wid * ROWS_PER_W
    pltpu.sync_copy(xs_hbm.at[pl.ds(base, ROWS_PER_W)], idx_v)

    lane = lax.broadcasted_iota(jnp.int32, (LANES,), 0)
    ones = jnp.full((LANES,), 1.0, jnp.float32)
    zeros = jnp.zeros((LANES,), jnp.float32)
    tail_cols = lax.rem(
        jnp.full((LANES,), FULL_GROUPS * LANES, jnp.int32) + lane,
        jnp.full((LANES,), NUM_CLASSES, jnp.int32),
    )

    def _zero_row(r, b):
        for c in range(FULL_GROUPS):
            buf[b, r, pl.ds(c * LANES, LANES)] = zeros
        plsc.store_scatter(
            buf.at[b],
            [jnp.full((LANES,), r, jnp.int32), tail_cols],
            zeros,
        )
        return b

    for b in range(NBUF):
        lax.fori_loop(0, CHUNK, _zero_row, b)

    def _copy(k, b):
        return pltpu.make_async_copy(
            buf.at[b],
            out_hbm.at[pl.ds(base + k * CHUNK, CHUNK)],
            sems.at[b],
        )

    for k in range(NCHUNK):
        b = k % NBUF
        if k >= NBUF:
            _copy(k - NBUF, b).wait()
            for g in range(CHUNK // LANES):
                rows = jnp.full((LANES,), g * LANES, jnp.int32) + lane
                cols = idx_v[pl.ds((k - NBUF) * CHUNK + g * LANES, LANES)]
                plsc.store_scatter(buf.at[b], [rows, cols], zeros)
        for g in range(CHUNK // LANES):
            rows = jnp.full((LANES,), g * LANES, jnp.int32) + lane
            cols = idx_v[pl.ds(k * CHUNK + g * LANES, LANES)]
            plsc.store_scatter(buf.at[b], [rows, cols], ones)
        _copy(k, b).start()

    for k in range(NCHUNK - NBUF, NCHUNK):
        _copy(k, k % NBUF).wait()


def kernel(xs, W):
    del W
    xs = xs.astype(jnp.int32)
    xs_tc = lax.slice(xs, (0,), (TC_ROWS,))
    xs_sc = lax.slice(xs, (TC_ROWS,), (BATCH,))
    tc_out = pl.pallas_call(
        _tc_onehot,
        grid=(TC_BLOCKS,),
        in_specs=[
            pl.BlockSpec((1, 1, BLOCK_M), lambda i: (i, 0, 0)),
        ],
        out_specs=pl.BlockSpec((BLOCK_M, NUM_CLASSES), lambda i: (i, 0)),
        out_shape=jax.ShapeDtypeStruct((TC_ROWS, NUM_CLASSES), jnp.float32),
    )(xs_tc.reshape(TC_BLOCKS, 1, BLOCK_M))
    sc_out = _sc_onehot(xs_sc)
    return jnp.concatenate([tc_out, sc_out], axis=0)

# --- scband reference (transcript-rebuilt; emitter-appended) ---
"""Pipeline reference for scband-one-hot-embedding-43301860278787 (READ-ONLY COPY).

The authoritative reference and input builder live on the scoring server;
editing this copy changes nothing except your own understanding.
"""

import jax, jax.numpy as jnp
import numpy as np

NUM_EMBEDDINGS = 1000
BATCH = 16384


def setup_inputs(seed: int = 0) -> dict:
    key = jax.random.key(seed)
    xs = jax.random.randint(key, (BATCH,), 0, NUM_EMBEDDINGS)
    # Non-trainable parameter: identity matrix, as in torch.eye(num_embeddings)
    W = jnp.eye(NUM_EMBEDDINGS, dtype=jnp.float32)
    return {"xs": xs, "W": W}


def reference(xs, W):
    # Faithful translation of: return self.weights[xs]
    # One-hot embedding lookup == row gather from the identity matrix.
    return W[xs]

if __name__ == "__main__":
    import jax
    _d = setup_inputs()
    print(jax.jit(kernel)(*tuple(_d.values())))

</pallas_src>

<mosaic_0001>
#map = affine_map<(d0, d1) -> (0)>
#map1 = affine_map<(d0, d1) -> (0, 0)>
module attributes {stable_mosaic.version = 14 : i64} {
  func.func @_sc_onehot(%arg0: i32, %arg1: i32, %arg2: memref<4096xi32, #tpu.memory_space<hbm>>, %arg3: memref<4096x1000xf32, #tpu.memory_space<hbm>>, %arg4: memref<128xi32, #tpu.memory_space<vmem>>, %arg5: memref<2x32x1000xf32, #tpu.memory_space<vmem>>, %arg6: memref<2x!tpu.dma_semaphore, #tpu.memory_space<semaphore_mem>>) attributes {dimension_semantics = [#tpu.dimension_semantics<core_parallel>, #tpu.dimension_semantics<subcore_parallel>], iteration_bounds = array<i64: 2, 16>, scalar_prefetch = 0 : i64, scratch_operands = 3 : i64, tpu.core_type = #tpu.core_type<sc_vector_subcore>, window_params = [{transform_indices = #map}, {transform_indices = #map1}]} {
    %mul3A = arith.constant 2 : i32
    %mul3A_0 = arith.muli %arg1, %mul3A : i32
    %add3A = arith.addi %mul3A_0, %arg0 : i32
    %mul3A_1 = arith.constant 128 : i32
    %mul3A_2 = arith.muli %add3A, %mul3A_1 : i32
    "tpu.region"() ({
      %run_scoped3A = tpu.sem_alloc : memref<!tpu.dma_semaphore, #tpu.memory_space<semaphore_mem>>
      %dma_start3A_282 = tpu.memref_slice %arg2[%mul3A_2] : memref<4096xi32, #tpu.memory_space<hbm>> -> memref<128xi32, #tpu.memory_space<hbm>>
      %dma_start3A_283 = tpu.memref_slice %arg2[%mul3A_2] : memref<4096xi32, #tpu.memory_space<hbm>> -> memref<128xi32, #tpu.memory_space<hbm>>
      tpu.enqueue_dma source(%dma_start3A_283 : memref<128xi32, #tpu.memory_space<hbm>>) target(%arg4 : memref<128xi32, #tpu.memory_space<vmem>>) target_semaphore(%run_scoped3A : memref<!tpu.dma_semaphore, #tpu.memory_space<semaphore_mem>>)
      %dma_wait3A_284 = tpu.memref_slice %arg2[%mul3A_2] : memref<4096xi32, #tpu.memory_space<hbm>> -> memref<128xi32, #tpu.memory_space<hbm>>
      %dma_wait3A_285 = tpu.memref_slice %arg2[%mul3A_2] : memref<4096xi32, #tpu.memory_space<hbm>> -> memref<128xi32, #tpu.memory_space<hbm>>
      tpu.wait_dma2 semaphore(%run_scoped3A : memref<!tpu.dma_semaphore, #tpu.memory_space<semaphore_mem>>) src(%dma_wait3A_285 : memref<128xi32, #tpu.memory_space<hbm>>) dst(%arg4 : memref<128xi32, #tpu.memory_space<vmem>>)
      tpu.yield
    }) : () -> ()
    %iota3A = tpu.iota {dimensions = array<i32: 0>} : vector<16xi32>
    %broadcast_in_dim3A = arith.constant 1.000000e+00 : f32
    %broadcast_in_dim3A_3 = vector.broadcast %broadcast_in_dim3A : f32 to vector<16xf32>
    %broadcast_in_dim3A_4 = arith.constant 0.000000e+00 : f32
    %broadcast_in_dim3A_5 = vector.broadcast %broadcast_in_dim3A_4 : f32 to vector<16xf32>
    %broadcast_in_dim3A_6 = arith.constant 992 : i32
    %broadcast_in_dim3A_7 = vector.broadcast %broadcast_in_dim3A_6 : i32 to vector<16xi32>
    %add3A_8 = arith.addi %broadcast_in_dim3A_7, %iota3A : vector<16xi32>
    %broadcast_in_dim3A_9 = arith.constant 1000 : i32
    %broadcast_in_dim3A_10 = vector.broadcast %broadcast_in_dim3A_9 : i32 to vector<16xi32>
    %rem3A = arith.remsi %add3A_8, %broadcast_in_dim3A_10 : vector<16xi32>
    %scan3A = arith.constant 0 : i32
    %scan3A_11 = arith.constant 0 : i32
    %scan3A_12 = arith.constant 32 : i32
    %scan3A_13 = arith.addi %scan3A_11, %scan3A_12 : i32
    %scan3A_14 = arith.constant 1 : i32
    scf.for %scan3A_282 = %scan3A_11 to %scan3A_13 step %scan3A_14  : i32 {
      %swap3A = arith.index_cast %scan3A : i32 to index
      %swap3A_283 = arith.index_cast %scan3A_282 : i32 to index
      %swap3A_284 = arith.constant 0 : index
      %swap3A_285 = tpu.vector_load %arg5[%swap3A, %swap3A_283, %swap3A_284] {strides = array<i32>} : memref<2x32x1000xf32, #tpu.memory_space<vmem>>, vector<16xf32>,
      tpu.vector_store %arg5[%swap3A, %swap3A_283, %swap3A_284], %broadcast_in_dim3A_5 {strides = array<i32>} : memref<2x32x1000xf32, #tpu.memory_space<vmem>>, vector<16xf32>,
      %swap3A_286 = arith.index_cast %scan3A : i32 to index
      %swap3A_287 = arith.index_cast %scan3A_282 : i32 to index
      %swap3A_288 = arith.constant 16 : index
      %swap3A_289 = tpu.vector_load %arg5[%swap3A_286, %swap3A_287, %swap3A_288] {strides = array<i32>} : memref<2x32x1000xf32, #tpu.memory_space<vmem>>, vector<16xf32>,
      tpu.vector_store %arg5[%swap3A_286, %swap3A_287, %swap3A_288], %broadcast_in_dim3A_5 {strides = array<i32>} : memref<2x32x1000xf32, #tpu.memory_space<vmem>>, vector<16xf32>,
      %swap3A_290 = arith.index_cast %scan3A : i32 to index
      %swap3A_291 = arith.index_cast %scan3A_282 : i32 to index
      %swap3A_292 = arith.constant 32 : index
      %swap3A_293 = tpu.vector_load %arg5[%swap3A_290, %swap3A_291, %swap3A_292] {strides = array<i32>} : memref<2x32x1000xf32, #tpu.memory_space<vmem>>, vector<16xf32>,
      tpu.vector_store %arg5[%swap3A_290, %swap3A_291, %swap3A_292], %broadcast_in_dim3A_5 {strides = array<i32>} : memref<2x32x1000xf32, #tpu.memory_space<vmem>>, vector<16xf32>,
      %swap3A_294 = arith.index_cast %scan3A : i32 to index
      %swap3A_295 = arith.index_cast %scan3A_282 : i32 to index
      %swap3A_296 = arith.constant 48 : index
      %swap3A_297 = tpu.vector_load %arg5[%swap3A_294, %swap3A_295, %swap3A_296] {strides = array<i32>} : memref<2x32x1000xf32, #tpu.memory_space<vmem>>, vector<16xf32>,
      tpu.vector_store %arg5[%swap3A_294, %swap3A_295, %swap3A_296], %broadcast_in_dim3A_5 {strides = array<i32>} : memref<2x32x1000xf32, #tpu.memory_space<vmem>>, vector<16xf32>,
      %swap3A_298 = arith.index_cast %scan3A : i32 to index
      %swap3A_299 = arith.index_cast %scan3A_282 : i32 to index
      %swap3A_300 = arith.constant 64 : index
      %swap3A_301 = tpu.vector_load %arg5[%swap3A_298, %swap3A_299, %swap3A_300] {strides = array<i32>} : memref<2x32x1000xf32, #tpu.memory_space<vmem>>, vector<16xf32>,
      tpu.vector_store %arg5[%swap3A_298, %swap3A_299, %swap3A_300], %broadcast_in_dim3A_5 {strides = array<i32>} : memref<2x32x1000xf32, #tpu.memory_space<vmem>>, vector<16xf32>,
      %swap3A_302 = arith.index_cast %scan3A : i32 to index
      %swap3A_303 = arith.index_cast %scan3A_282 : i32 to index
      %swap3A_304 = arith.constant 80 : index
      %swap3A_305 = tpu.vector_load %arg5[%swap3A_302, %swap3A_303, %swap3A_304] {strides = array<i32>} : memref<2x32x1000xf32, #tpu.memory_space<vmem>>, vector<16xf32>,
      tpu.vector_store %arg5[%swap3A_302, %swap3A_303, %swap3A_304], %broadcast_in_dim3A_5 {strides = array<i32>} : memref<2x32x1000xf32, #tpu.memory_space<vmem>>, vector<16xf32>,
      %swap3A_306 = arith.index_cast %scan3A : i32 to index
      %swap3A_307 = arith.index_cast %scan3A_282 : i32 to index
      %swap3A_308 = arith.constant 96 : index
      %swap3A_309 = tpu.vector_load %arg5[%swap3A_306, %swap3A_307, %swap3A_308] {strides = array<i32>} : memref<2x32x1000xf32, #tpu.memory_space<vmem>>, vector<16xf32>,
      tpu.vector_store %arg5[%swap3A_306, %swap3A_307, %swap3A_308], %broadcast_in_dim3A_5 {strides = array<i32>} : memref<2x32x1000xf32, #tpu.memory_space<vmem>>, vector<16xf32>,
      %swap3A_310 = arith.index_cast %scan3A : i32 to index
      %swap3A_311 = arith.index_cast %scan3A_282 : i32 to index
      %swap3A_312 = arith.constant 112 : index
      %swap3A_313 = tpu.vector_load %arg5[%swap3A_310, %swap3A_311, %swap3A_312] {strides = array<i32>} : memref<2x32x1000xf32, #tpu.memory_space<vmem>>, vector<16xf32>,
      tpu.vector_store %arg5[%swap3A_310, %swap3A_311, %swap3A_312], %broadcast_in_dim3A_5 {strides = array<i32>} : memref<2x32x1000xf32, #tpu.memory_space<vmem>>, vector<16xf32>,
      %swap3A_314 = arith.index_cast %scan3A : i32 to index
      %swap3A_315 = arith.index_cast %scan3A_282 : i32 to index
      %swap3A_316 = arith.constant 128 : index
      %swap3A_317 = tpu.vector_load %arg5[%swap3A_314, %swap3A_315, %swap3A_316] {strides = array<i32>} : memref<2x32x1000xf32, #tpu.memory_space<vmem>>, vector<16xf32>,
      tpu.vector_store %arg5[%swap3A_314, %swap3A_315, %swap3A_316], %broadcast_in_dim3A_5 {strides = array<i32>} : memref<2x32x1000xf32, #tpu.memory_space<vmem>>, vector<16xf32>,
      %swap3A_318 = arith.index_cast %scan3A : i32 to index
      %swap3A_319 = arith.index_cast %scan3A_282 : i32 to index
      %swap3A_320 = arith.constant 144 : index
      %swap3A_321 = tpu.vector_load %arg5[%swap3A_318, %swap3A_319, %swap3A_320] {strides = array<i32>} : memref<2x32x1000xf32, #tpu.memory_space<vmem>>, vector<16xf32>,
      tpu.vector_store %arg5[%swap3A_318, %swap3A_319, %swap3A_320], %broadcast_in_dim3A_5 {strides = array<i32>} : memref<2x32x1000xf32, #tpu.memory_space<vmem>>, vector<16xf32>,
      %swap3A_322 = arith.index_cast %scan3A : i32 to index
      %swap3A_323 = arith.index_cast %scan3A_282 : i32 to index
      %swap3A_324 = arith.constant 160 : index
      %swap3A_325 = tpu.vector_load %arg5[%swap3A_322, %swap3A_323, %swap3A_324] {strides = array<i32>} : memref<2x32x1000xf32, #tpu.memory_space<vmem>>, vector<16xf32>,
      tpu.vector_store %arg5[%swap3A_322, %swap3A_323, %swap3A_324], %broadcast_in_dim3A_5 {strides = array<i32>} : memref<2x32x1000xf32, #tpu.memory_space<vmem>>, vector<16xf32>,
      %swap3A_326 = arith.index_cast %scan3A : i32 to index
      %swap3A_327 = arith.index_cast %scan3A_282 : i32 to index
      %swap3A_328 = arith.constant 176 : index
      %swap3A_329 = tpu.vector_load %arg5[%swap3A_326, %swap3A_327, %swap3A_328] {strides = array<i32>} : memref<2x32x1000xf32, #tpu.memory_space<vmem>>, vector<16xf32>,
      tpu.vector_store %arg5[%swap3A_326, %swap3A_327, %swap3A_328], %broadcast_in_dim3A_5 {strides = array<i32>} : memref<2x32x1000xf32, #tpu.memory_space<vmem>>, vector<16xf32>,
      %swap3A_330 = arith.index_cast %scan3A : i32 to index
      %swap3A_331 = arith.index_cast %scan3A_282 : i32 to index
      %swap3A_332 = arith.constant 192 : index
      %swap3A_333 = tpu.vector_load %arg5[%swap3A_330, %swap3A_331, %swap3A_332] {strides = array<i32>} : memref<2x32x1000xf32, #tpu.memory_space<vmem>>, vector<16xf32>,
      tpu.vector_store %arg5[%swap3A_330, %swap3A_331, %swap3A_332], %broadcast_in_dim3A_5 {strides = array<i32>} : memref<2x32x1000xf32, #tpu.memory_space<vmem>>, vector<16xf32>,
      %swap3A_334 = arith.index_cast %scan3A : i32 to index
      %swap3A_335 = arith.index_cast %scan3A_282 : i32 to index
      %swap3A_336 = arith.constant 208 : index
      %swap3A_337 = tpu.vector_load %arg5[%swap3A_334, %swap3A_335, %swap3A_336] {strides = array<i32>} : memref<2x32x1000xf32, #tpu.memory_space<vmem>>, vector<16xf32>,
      tpu.vector_store %arg5[%swap3A_334, %swap3A_335, %swap3A_336], %broadcast_in_dim3A_5 {strides = array<i32>} : memref<2x32x1000xf32, #tpu.memory_space<vmem>>, vector<16xf32>,
      %swap3A_338 = arith.index_cast %scan3A : i32 to index
      %swap3A_339 = arith.index_cast %scan3A_282 : i32 to index
      %swap3A_340 = arith.constant 224 : index
      %swap3A_341 = tpu.vector_load %arg5[%swap3A_338, %swap3A_339, %swap3A_340] {strides = array<i32>} : memref<2x32x1000xf32, #tpu.memory_space<vmem>>, vector<16xf32>,
      tpu.vector_store %arg5[%swap3A_338, %swap3A_339, %swap3A_340], %broadcast_in_dim3A_5 {strides = array<i32>} : memref<2x32x1000xf32, #tpu.memory_space<vmem>>, vector<16xf32>,
      %swap3A_342 = arith.index_cast %scan3A : i32 to index
      %swap3A_343 = arith.index_cast %scan3A_282 : i32 to index
      %swap3A_344 = arith.constant 240 : index
      %swap3A_345 = tpu.vector_load %arg5[%swap3A_342, %swap3A_343, %swap3A_344] {strides = array<i32>} : memref<2x32x1000xf32, #tpu.memory_space<vmem>>, vector<16xf32>,
      tpu.vector_store %arg5[%swap3A_342, %swap3A_343, %swap3A_344], %broadcast_in_dim3A_5 {strides = array<i32>} : memref<2x32x1000xf32, #tpu.memory_space<vmem>>, vector<16xf32>,
      %swap3A_346 = arith.index_cast %scan3A : i32 to index
      %swap3A_347 = arith.index_cast %scan3A_282 : i32 to index
      %swap3A_348 = arith.constant 256 : index
      %swap3A_349 = tpu.vector_load %arg5[%swap3A_346, %swap3A_347, %swap3A_348] {strides = array<i32>} : memref<2x32x1000xf32, #tpu.memory_space<vmem>>, vector<16xf32>,
      tpu.vector_store %arg5[%swap3A_346, %swap3A_347, %swap3A_348], %broadcast_in_dim3A_5 {strides = array<i32>} : memref<2x32x1000xf32, #tpu.memory_space<vmem>>, vector<16xf32>,
      %swap3A_350 = arith.index_cast %scan3A : i32 to index
      %swap3A_351 = arith.index_cast %scan3A_282 : i32 to index
      %swap3A_352 = arith.constant 272 : index
      %swap3A_353 = tpu.vector_load %arg5[%swap3A_350, %swap3A_351, %swap3A_352] {strides = array<i32>} : memref<2x32x1000xf32, #tpu.memory_space<vmem>>, vector<16xf32>,
      tpu.vector_store %arg5[%swap3A_350, %swap3A_351, %swap3A_352], %broadcast_in_dim3A_5 {strides = array<i32>} : memref<2x32x1000xf32, #tpu.memory_space<vmem>>, vector<16xf32>,
      %swap3A_354 = arith.index_cast %scan3A : i32 to index
      %swap3A_355 = arith.index_cast %scan3A_282 : i32 to index
      %swap3A_356 = arith.constant 288 : index
      %swap3A_357 = tpu.vector_load %arg5[%swap3A_354, %swap3A_355, %swap3A_356] {strides = array<i32>} : memref<2x32x1000xf32, #tpu.memory_space<vmem>>, vector<16xf32>,
      tpu.vector_store %arg5[%swap3A_354, %swap3A_355, %swap3A_356], %broadcast_in_dim3A_5 {strides = array<i32>} : memref<2x32x1000xf32, #tpu.memory_space<vmem>>, vector<16xf32>,
      %swap3A_358 = arith.index_cast %scan3A : i32 to index
      %swap3A_359 = arith.index_cast %scan3A_282 : i32 to index
      %swap3A_360 = arith.constant 304 : index
      %swap3A_361 = tpu.vector_load %arg5[%swap3A_358, %swap3A_359, %swap3A_360] {strides = array<i32>} : memref<2x32x1000xf32, #tpu.memory_space<vmem>>, vector<16xf32>,
      tpu.vector_store %arg5[%swap3A_358, %swap3A_359, %swap3A_360], %broadcast_in_dim3A_5 {strides = array<i32>} : memref<2x32x1000xf32, #tpu.memory_space<vmem>>, vector<16xf32>,
      %swap3A_362 = arith.index_cast %scan3A : i32 to index
      %swap3A_363 = arith.index_cast %scan3A_282 : i32 to index
      %swap3A_364 = arith.constant 320 : index
      %swap3A_365 = tpu.vector_load %arg5[%swap3A_362, %swap3A_363, %swap3A_364] {strides = array<i32>} : memref<2x32x1000xf32, #tpu.memory_space<vmem>>, vector<16xf32>,
      tpu.vector_store %arg5[%swap3A_362, %swap3A_363, %swap3A_364], %broadcast_in_dim3A_5 {strides = array<i32>} : memref<2x32x1000xf32, #tpu.memory_space<vmem>>, vector<16xf32>,
      %swap3A_366 = arith.index_cast %scan3A : i32 to index
      %swap3A_367 = arith.index_cast %scan3A_282 : i32 to index
      %swap3A_368 = arith.constant 336 : index
      %swap3A_369 = tpu.vector_load %arg5[%swap3A_366, %swap3A_367, %swap3A_368] {strides = array<i32>} : memref<2x32x1000xf32, #tpu.memory_space<vmem>>, vector<16xf32>,
      tpu.vector_store %arg5[%swap3A_366, %swap3A_367, %swap3A_368], %broadcast_in_dim3A_5 {strides = array<i32>} : memref<2x32x1000xf32, #tpu.memory_space<vmem>>, vector<16xf32>,
      %swap3A_370 = arith.index_cast %scan3A : i32 to index
      %swap3A_371 = arith.index_cast %scan3A_282 : i32 to index
      %swap3A_372 = arith.constant 352 : index
      %swap3A_373 = tpu.vector_load %arg5[%swap3A_370, %swap3A_371, %swap3A_372] {strides = array<i32>} : memref<2x32x1000xf32, #tpu.memory_space<vmem>>, vector<16xf32>,
      tpu.vector_store %arg5[%swap3A_370, %swap3A_371, %swap3A_372], %broadcast_in_dim3A_5 {strides = array<i32>} : memref<2x32x1000xf32, #tpu.memory_space<vmem>>, vector<16xf32>,
      %swap3A_374 = arith.index_cast %scan3A : i32 to index
      %swap3A_375 = arith.index_cast %scan3A_282 : i32 to index
      %swap3A_376 = arith.constant 368 : index
      %swap3A_377 = tpu.vector_load %arg5[%swap3A_374, %swap3A_375, %swap3A_376] {strides = array<i32>} : memref<2x32x1000xf32, #tpu.memory_space<vmem>>, vector<16xf32>,
      tpu.vector_store %arg5[%swap3A_374, %swap3A_375, %swap3A_376], %broadcast_in_dim3A_5 {strides = array<i32>} : memref<2x32x1000xf32, #tpu.memory_space<vmem>>, vector<16xf32>,
      %swap3A_378 = arith.index_cast %scan3A : i32 to index
      %swap3A_379 = arith.index_cast %scan3A_282 : i32 to index
      %swap3A_380 = arith.constant 384 : index
      %swap3A_381 = tpu.vector_load %arg5[%swap3A_378, %swap3A_379, %swap3A_380] {strides = array<i32>} : memref<2x32x1000xf32, #tpu.memory_space<vmem>>, vector<16xf32>,
      tpu.vector_store %arg5[%swap3A_378, %swap3A_379, %swap3A_380], %broadcast_in_dim3A_5 {strides = array<i32>} : memref<2x32x1000xf32, #tpu.memory_space<vmem>>, vector<16xf32>,
      %swap3A_382 = arith.index_cast %scan3A : i32 to index
      %swap3A_383 = arith.index_cast %scan3A_282 : i32 to index
      %swap3A_384 = arith.constant 400 : index
      %swap3A_385 = tpu.vector_load %arg5[%swap3A_382, %swap3A_383, %swap3A_384] {strides = array<i32>} : memref<2x32x1000xf32, #tpu.memory_space<vmem>>, vector<16xf32>,
      tpu.vector_store %arg5[%swap3A_382, %swap3A_383, %swap3A_384], %broadcast_in_dim3A_5 {strides = array<i32>} : memref<2x32x1000xf32, #tpu.memory_space<vmem>>, vector<16xf32>,
      %swap3A_386 = arith.index_cast %scan3A : i32 to index
      %swap3A_387 = arith.index_cast %scan3A_282 : i32 to index
      %swap3A_388 = arith.constant 416 : index
      %swap3A_389 = tpu.vector_load %arg5[%swap3A_386, %swap3A_387, %swap3A_388] {strides = array<i32>} : memref<2x32x1000xf32, #tpu.memory_space<vmem>>, vector<16xf32>,
      tpu.vector_store %arg5[%swap3A_386, %swap3A_387, %swap3A_388], %broadcast_in_dim3A_5 {strides = array<i32>} : memref<2x32x1000xf32, #tpu.memory_space<vmem>>, vector<16xf32>,
      %swap3A_390 = arith.index_cast %scan3A : i32 to index
      %swap3A_391 = arith.index_cast %scan3A_282 : i32 to index
      %swap3A_392 = arith.constant 432 : index
      %swap3A_393 = tpu.vector_load %arg5[%swap3A_390, %swap3A_391, %swap3A_392] {strides = array<i32>} : memref<2x32x1000xf32, #tpu.memory_space<vmem>>, vector<16xf32>,
      tpu.vector_store %arg5[%swap3A_390, %swap3A_391, %swap3A_392], %broadcast_in_dim3A_5 {strides = array<i32>} : memref<2x32x1000xf32, #tpu.memory_space<vmem>>, vector<16xf32>,
      %swap3A_394 = arith.index_cast %scan3A : i32 to index
      %swap3A_395 = arith.index_cast %scan3A_282 : i32 to index
      %swap3A_396 = arith.constant 448 : index
      %swap3A_397 = tpu.vector_load %arg5[%swap3A_394, %swap3A_395, %swap3A_396] {strides = array<i32>} : memref<2x32x1000xf32, #tpu.memory_space<vmem>>, vector<16xf32>,
      tpu.vector_store %arg5[%swap3A_394, %swap3A_395, %swap3A_396], %broadcast_in_dim3A_5 {strides = array<i32>} : memref<2x32x1000xf32, #tpu.memory_space<vmem>>, vector<16xf32>,
      %swap3A_398 = arith.index_cast %scan3A : i32 to index
      %swap3A_399 = arith.index_cast %scan3A_282 : i32 to index
      %swap3A_400 = arith.constant 464 : index
      %swap3A_401 = tpu.vector_load %arg5[%swap3A_398, %swap3A_399, %swap3A_400] {strides = array<i32>} : memref<2x32x1000xf32, #tpu.memory_space<vmem>>, vector<16xf32>,
      tpu.vector_store %arg5[%swap3A_398, %swap3A_399, %swap3A_400], %broadcast_in_dim3A_5 {strides = array<i32>} : memref<2x32x1000xf32, #tpu.memory_space<vmem>>, vector<16xf32>,
      %swap3A_402 = arith.index_cast %scan3A : i32 to index
      %swap3A_403 = arith.index_cast %scan3A_282 : i32 to index
      %swap3A_404 = arith.constant 480 : index
      %swap3A_405 = tpu.vector_load %arg5[%swap3A_402, %swap3A_403, %swap3A_404] {strides = array<i32>} : memref<2x32x1000xf32, #tpu.memory_space<vmem>>, vector<16xf32>,
      tpu.vector_store %arg5[%swap3A_402, %swap3A_403, %swap3A_404], %broadcast_in_dim3A_5 {strides = array<i32>} : memref<2x32x1000xf32, #tpu.memory_space<vmem>>, vector<16xf32>,
      %swap3A_406 = arith.index_cast %scan3A : i32 to index
      %swap3A_407 = arith.index_cast %scan3A_282 : i32 to index
      %swap3A_408 = arith.constant 496 : index
      %swap3A_409 = tpu.vector_load %arg5[%swap3A_406, %swap3A_407, %swap3A_408] {strides = array<i32>} : memref<2x32x1000xf32, #tpu.memory_space<vmem>>, vector<16xf32>,
      tpu.vector_store %arg5[%swap3A_406, %swap3A_407, %swap3A_408], %broadcast_in_dim3A_5 {strides = array<i32>} : memref<2x32x1000xf32, #tpu.memory_space<vmem>>, vector<16xf32>,
      %swap3A_410 = arith.index_cast %scan3A : i32 to index
      %swap3A_411 = arith.index_cast %scan3A_282 : i32 to index
      %swap3A_412 = arith.constant 512 : index
      %swap3A_413 = tpu.vector_load %arg5[%swap3A_410, %swap3A_411, %swap3A_412] {strides = array<i32>} : memref<2x32x1000xf32, #tpu.memory_space<vmem>>, vector<16xf32>,
      tpu.vector_store %arg5[%swap3A_410, %swap3A_411, %swap3A_412], %broadcast_in_dim3A_5 {strides = array<i32>} : memref<2x32x1000xf32, #tpu.memory_space<vmem>>, vector<16xf32>,
      %swap3A_414 = arith.index_cast %scan3A : i32 to index
      %swap3A_415 = arith.index_cast %scan3A_282 : i32 to index
      %swap3A_416 = arith.constant 528 : index
      %swap3A_417 = tpu.vector_load %arg5[%swap3A_414, %swap3A_415, %swap3A_416] {strides = array<i32>} : memref<2x32x1000xf32, #tpu.memory_space<vmem>>, vector<16xf32>,
      tpu.vector_store %arg5[%swap3A_414, %swap3A_415, %swap3A_416], %broadcast_in_dim3A_5 {strides = array<i32>} : memref<2x32x1000xf32, #tpu.memory_space<vmem>>, vector<16xf32>,
      %swap3A_418 = arith.index_cast %scan3A : i32 to index
      %swap3A_419 = arith.index_cast %scan3A_282 : i32 to index
      %swap3A_420 = arith.constant 544 : index
      %swap3A_421 = tpu.vector_load %arg5[%swap3A_418, %swap3A_419, %swap3A_420] {strides = array<i32>} : memref<2x32x1000xf32, #tpu.memory_space<vmem>>, vector<16xf32>,
      tpu.vector_store %arg5[%swap3A_418, %swap3A_419, %swap3A_420], %broadcast_in_dim3A_5 {strides = array<i32>} : memref<2x32x1000xf32, #tpu.memory_space<vmem>>, vector<16xf32>,
      %swap3A_422 = arith.index_cast %scan3A : i32 to index
      %swap3A_423 = arith.index_cast %scan3A_282 : i32 to index
      %swap3A_424 = arith.constant 560 : index
      %swap3A_425 = tpu.vector_load %arg5[%swap3A_422, %swap3A_423, %swap3A_424] {strides = array<i32>} : memref<2x32x1000xf32, #tpu.memory_space<vmem>>, vector<16xf32>,
      tpu.vector_store %arg5[%swap3A_422, %swap3A_423, %swap3A_424], %broadcast_in_dim3A_5 {strides = array<i32>} : memref<2x32x1000xf32, #tpu.memory_space<vmem>>, vector<16xf32>,
      %swap3A_426 = arith.index_cast %scan3A : i32 to index
      %swap3A_427 = arith.index_cast %scan3A_282 : i32 to index
      %swap3A_428 = arith.constant 576 : index
      %swap3A_429 = tpu.vector_load %arg5[%swap3A_426, %swap3A_427, %swap3A_428] {strides = array<i32>} : memref<2x32x1000xf32, #tpu.memory_space<vmem>>, vector<16xf32>,
      tpu.vector_store %arg5[%swap3A_426, %swap3A_427, %swap3A_428], %broadcast_in_dim3A_5 {strides = array<i32>} : memref<2x32x1000xf32, #tpu.memory_space<vmem>>, vector<16xf32>,
      %swap3A_430 = arith.index_cast %scan3A : i32 to index
      %swap3A_431 = arith.index_cast %scan3A_282 : i32 to index
      %swap3A_432 = arith.constant 592 : index
      %swap3A_433 = tpu.vector_load %arg5[%swap3A_430, %swap3A_431, %swap3A_432] {strides = array<i32>} : memref<2x32x1000xf32, #tpu.memory_space<vmem>>, vector<16xf32>,
      tpu.vector_store %arg5[%swap3A_430, %swap3A_431, %swap3A_432], %broadcast_in_dim3A_5 {strides = array<i32>} : memref<2x32x1000xf32, #tpu.memory_space<vmem>>, vector<16xf32>,
      %swap3A_434 = arith.index_cast %scan3A : i32 to index
      %swap3A_435 = arith.index_cast %scan3A_282 : i32 to index
      %swap3A_436 = arith.constant 608 : index
      %swap3A_437 = tpu.vector_load %arg5[%swap3A_434, %swap3A_435, %swap3A_436] {strides = array<i32>} : memref<2x32x1000xf32, #tpu.memory_space<vmem>>, vector<16xf32>,
      tpu.vector_store %arg5[%swap3A_434, %swap3A_435, %swap3A_436], %broadcast_in_dim3A_5 {strides = array<i32>} : memref<2x32x1000xf32, #tpu.memory_space<vmem>>, vector<16xf32>,
      %swap3A_438 = arith.index_cast %scan3A : i32 to index
      %swap3A_439 = arith.index_cast %scan3A_282 : i32 to index
      %swap3A_440 = arith.constant 624 : index
      %swap3A_441 = tpu.vector_load %arg5[%swap3A_438, %swap3A_439, %swap3A_440] {strides = array<i32>} : memref<2x32x1000xf32, #tpu.memory_space<vmem>>, vector<16xf32>,
      tpu.vector_store %arg5[%swap3A_438, %swap3A_439, %swap3A_440], %broadcast_in_dim3A_5 {strides = array<i32>} : memref<2x32x1000xf32, #tpu.memory_space<vmem>>, vector<16xf32>,
      %swap3A_442 = arith.index_cast %scan3A : i32 to index
      %swap3A_443 = arith.index_cast %scan3A_282 : i32 to index
      %swap3A_444 = arith.constant 640 : index
      %swap3A_445 = tpu.vector_load %arg5[%swap3A_442, %swap3A_443, %swap3A_444] {strides = array<i32>} : memref<2x32x1000xf32, #tpu.memory_space<vmem>>, vector<16xf32>,
      tpu.vector_store %arg5[%swap3A_442, %swap3A_443, %swap3A_444], %broadcast_in_dim3A_5 {strides = array<i32>} : memref<2x32x1000xf32, #tpu.memory_space<vmem>>, vector<16xf32>,
      %swap3A_446 = arith.index_cast %scan3A : i32 to index
      %swap3A_447 = arith.index_cast %scan3A_282 : i32 to index
      %swap3A_448 = arith.constant 656 : index
      %swap3A_449 = tpu.vector_load %arg5[%swap3A_446, %swap3A_447, %swap3A_448] {strides = array<i32>} : memref<2x32x1000xf32, #tpu.memory_space<vmem>>, vector<16xf32>,
      tpu.vector_store %arg5[%swap3A_446, %swap3A_447, %swap3A_448], %broadcast_in_dim3A_5 {strides = array<i32>} : memref<2x32x1000xf32, #tpu.memory_space<vmem>>, vector<16xf32>,
      %swap3A_450 = arith.index_cast %scan3A : i32 to index
      %swap3A_451 = arith.index_cast %scan3A_282 : i32 to index
      %swap3A_452 = arith.constant 672 : index
      %swap3A_453 = tpu.vector_load %arg5[%swap3A_450, %swap3A_451, %swap3A_452] {strides = array<i32>} : memref<2x32x1000xf32, #tpu.memory_space<vmem>>, vector<16xf32>,
      tpu.vector_store %arg5[%swap3A_450, %swap3A_451, %swap3A_452], %broadcast_in_dim3A_5 {strides = array<i32>} : memref<2x32x1000xf32, #tpu.memory_space<vmem>>, vector<16xf32>,
      %swap3A_454 = arith.index_cast %scan3A : i32 to index
      %swap3A_455 = arith.index_cast %scan3A_282 : i32 to index
      %swap3A_456 = arith.constant 688 : index
      %swap3A_457 = tpu.vector_load %arg5[%swap3A_454, %swap3A_455, %swap3A_456] {strides = array<i32>} : memref<2x32x1000xf32, #tpu.memory_space<vmem>>, vector<16xf32>,
      tpu.vector_store %arg5[%swap3A_454, %swap3A_455, %swap3A_456], %broadcast_in_dim3A_5 {strides = array<i32>} : memref<2x32x1000xf32, #tpu.memory_space<vmem>>, vector<16xf32>,
      %swap3A_458 = arith.index_cast %scan3A : i32 to index
      %swap3A_459 = arith.index_cast %scan3A_282 : i32 to index
      %swap3A_460 = arith.constant 704 : index
      %swap3A_461 = tpu.vector_load %arg5[%swap3A_458, %swap3A_459, %swap3A_460] {strides = array<i32>} : memref<2x32x1000xf32, #tpu.memory_space<vmem>>, vector<16xf32>,
      tpu.vector_store %arg5[%swap3A_458, %swap3A_459, %swap3A_460], %broadcast_in_dim3A_5 {strides = array<i32>} : memref<2x32x1000xf32, #tpu.memory_space<vmem>>, vector<16xf32>,
      %swap3A_462 = arith.index_cast %scan3A : i32 to index
      %swap3A_463 = arith.index_cast %scan3A_282 : i32 to index
      %swap3A_464 = arith.constant 720 : index
      %swap3A_465 = tpu.vector_load %arg5[%swap3A_462, %swap3A_463, %swap3A_464] {strides = array<i32>} : memref<2x32x1000xf32, #tpu.memory_space<vmem>>, vector<16xf32>,
      tpu.vector_store %arg5[%swap3A_462, %swap3A_463, %swap3A_464], %broadcast_in_dim3A_5 {strides = array<i32>} : memref<2x32x1000xf32, #tpu.memory_space<vmem>>, vector<16xf32>,
      %swap3A_466 = arith.index_cast %scan3A : i32 to index
      %swap3A_467 = arith.index_cast %scan3A_282 : i32 to index
      %swap3A_468 = arith.constant 736 : index
      %swap3A_469 = tpu.vector_load %arg5[%swap3A_466, %swap3A_467, %swap3A_468] {strides = array<i32>} : memref<2x32x1000xf32, #tpu.memory_space<vmem>>, vector<16xf32>,
      tpu.vector_store %arg5[%swap3A_466, %swap3A_467, %swap3A_468], %broadcast_in_dim3A_5 {strides = array<i32>} : memref<2x32x1000xf32, #tpu.memory_space<vmem>>, vector<16xf32>,
      %swap3A_470 = arith.index_cast %scan3A : i32 to index
      %swap3A_471 = arith.index_cast %scan3A_282 : i32 to index
      %swap3A_472 = arith.constant 752 : index
      %swap3A_473 = tpu.vector_load %arg5[%swap3A_470, %swap3A_471, %swap3A_472] {strides = array<i32>} : memref<2x32x1000xf32, #tpu.memory_space<vmem>>, vector<16xf32>,
      tpu.vector_store %arg5[%swap3A_470, %swap3A_471, %swap3A_472], %broadcast_in_dim3A_5 {strides = array<i32>} : memref<2x32x1000xf32, #tpu.memory_space<vmem>>, vector<16xf32>,
      %swap3A_474 = arith.index_cast %scan3A : i32 to index
      %swap3A_475 = arith.index_cast %scan3A_282 : i32 to index
      %swap3A_476 = arith.constant 768 : index
      %swap3A_477 = tpu.vector_load %arg5[%swap3A_474, %swap3A_475, %swap3A_476] {strides = array<i32>} : memref<2x32x1000xf32, #tpu.memory_space<vmem>>, vector<16xf32>,
      tpu.vector_store %arg5[%swap3A_474, %swap3A_475, %swap3A_476], %broadcast_in_dim3A_5 {strides = array<i32>} : memref<2x32x1000xf32, #tpu.memory_space<vmem>>, vector<16xf32>,
      %swap3A_478 = arith.index_cast %scan3A : i32 to index
      %swap3A_479 = arith.index_cast %scan3A_282 : i32 to index
      %swap3A_480 = arith.constant 784 : index
      %swap3A_481 = tpu.vector_load %arg5[%swap3A_478, %swap3A_479, %swap3A_480] {strides = array<i32>} : memref<2x32x1000xf32, #tpu.memory_space<vmem>>, vector<16xf32>,
      tpu.vector_store %arg5[%swap3A_478, %swap3A_479, %swap3A_480], %broadcast_in_dim3A_5 {strides = array<i32>} : memref<2x32x1000xf32, #tpu.memory_space<vmem>>, vector<16xf32>,
      %swap3A_482 = arith.index_cast %scan3A : i32 to index
      %swap3A_483 = arith.index_cast %scan3A_282 : i32 to index
      %swap3A_484 = arith.constant 800 : index
      %swap3A_485 = tpu.vector_load %arg5[%swap3A_482, %swap3A_483, %swap3A_484] {strides = array<i32>} : memref<2x32x1000xf32, #tpu.memory_space<vmem>>, vector<16xf32>,
      tpu.vector_store %arg5[%swap3A_482, %swap3A_483, %swap3A_484], %broadcast_in_dim3A_5 {strides = array<i32>} : memref<2x32x1000xf32, #tpu.memory_space<vmem>>, vector<16xf32>,
      %swap3A_486 = arith.index_cast %scan3A : i32 to index
      %swap3A_487 = arith.index_cast %scan3A_282 : i32 to index
      %swap3A_488 = arith.constant 816 : index
      %swap3A_489 = tpu.vector_load %arg5[%swap3A_486, %swap3A_487, %swap3A_488] {strides = array<i32>} : memref<2x32x1000xf32, #tpu.memory_space<vmem>>, vector<16xf32>,
      tpu.vector_store %arg5[%swap3A_486, %swap3A_487, %swap3A_488], %broadcast_in_dim3A_5 {strides = array<i32>} : memref<2x32x1000xf32, #tpu.memory_space<vmem>>, vector<16xf32>,
      %swap3A_490 = arith.index_cast %scan3A : i32 to index
      %swap3A_491 = arith.index_cast %scan3A_282 : i32 to index
      %swap3A_492 = arith.constant 832 : index
      %swap3A_493 = tpu.vector_load %arg5[%swap3A_490, %swap3A_491, %swap3A_492] {strides = array<i32>} : memref<2x32x1000xf32, #tpu.memory_space<vmem>>, vector<16xf32>,
      tpu.vector_store %arg5[%swap3A_490, %swap3A_491, %swap3A_492], %broadcast_in_dim3A_5 {strides = array<i32>} : memref<2x32x1000xf32, #tpu.memory_space<vmem>>, vector<16xf32>,
      %swap3A_494 = arith.index_cast %scan3A : i32 to index
      %swap3A_495 = arith.index_cast %scan3A_282 : i32 to index
      %swap3A_496 = arith.constant 848 : index
      %swap3A_497 = tpu.vector_load %arg5[%swap3A_494, %swap3A_495, %swap3A_496] {strides = array<i32>} : memref<2x32x1000xf32, #tpu.memory_space<vmem>>, vector<16xf32>,
      tpu.vector_store %arg5[%swap3A_494, %swap3A_495, %swap3A_496], %broadcast_in_dim3A_5 {strides = array<i32>} : memref<2x32x1000xf32, #tpu.memory_space<vmem>>, vector<16xf32>,
      %swap3A_498 = arith.index_cast %scan3A : i32 to index
      %swap3A_499 = arith.index_cast %scan3A_282 : i32 to index
      %swap3A_500 = arith.constant 864 : index
      %swap3A_501 = tpu.vector_load %arg5[%swap3A_498, %swap3A_499, %swap3A_500] {strides = array<i32>} : memref<2x32x1000xf32, #tpu.memory_space<vmem>>, vector<16xf32>,
      tpu.vector_store %arg5[%swap3A_498, %swap3A_499, %swap3A_500], %broadcast_in_dim3A_5 {strides = array<i32>} : memref<2x32x1000xf32, #tpu.memory_space<vmem>>, vector<16xf32>,
      %swap3A_502 = arith.index_cast %scan3A : i32 to index
      %swap3A_503 = arith.index_cast %scan3A_282 : i32 to index
      %swap3A_504 = arith.constant 880 : index
      %swap3A_505 = tpu.vector_load %arg5[%swap3A_502, %swap3A_503, %swap3A_504] {strides = array<i32>} : memref<2x32x1000xf32, #tpu.memory_space<vmem>>, vector<16xf32>,
      tpu.vector_store %arg5[%swap3A_502, %swap3A_503, %swap3A_504], %broadcast_in_dim3A_5 {strides = array<i32>} : memref<2x32x1000xf32, #tpu.memory_space<vmem>>, vector<16xf32>,
      %swap3A_506 = arith.index_cast %scan3A : i32 to index
      %swap3A_507 = arith.index_cast %scan3A_282 : i32 to index
      %swap3A_508 = arith.constant 896 : index
      %swap3A_509 = tpu.vector_load %arg5[%swap3A_506, %swap3A_507, %swap3A_508] {strides = array<i32>} : memref<2x32x1000xf32, #tpu.memory_space<vmem>>, vector<16xf32>,
      tpu.vector_store %arg5[%swap3A_506, %swap3A_507, %swap3A_508], %broadcast_in_dim3A_5 {strides = array<i32>} : memref<2x32x1000xf32, #tpu.memory_space<vmem>>, vector<16xf32>,
      %swap3A_510 = arith.index_cast %scan3A : i32 to index
      %swap3A_511 = arith.index_cast %scan3A_282 : i32 to index
      %swap3A_512 = arith.constant 912 : index
      %swap3A_513 = tpu.vector_load %arg5[%swap3A_510, %swap3A_511, %swap3A_512] {strides = array<i32>} : memref<2x32x1000xf32, #tpu.memory_space<vmem>>, vector<16xf32>,
      tpu.vector_store %arg5[%swap3A_510, %swap3A_511, %swap3A_512], %broadcast_in_dim3A_5 {strides = array<i32>} : memref<2x32x1000xf32, #tpu.memory_space<vmem>>, vector<16xf32>,
      %swap3A_514 = arith.index_cast %scan3A : i32 to index
      %swap3A_515 = arith.index_cast %scan3A_282 : i32 to index
      %swap3A_516 = arith.constant 928 : index
      %swap3A_517 = tpu.vector_load %arg5[%swap3A_514, %swap3A_515, %swap3A_516] {strides = array<i32>} : memref<2x32x1000xf32, #tpu.memory_space<vmem>>, vector<16xf32>,
      tpu.vector_store %arg5[%swap3A_514, %swap3A_515, %swap3A_516], %broadcast_in_dim3A_5 {strides = array<i32>} : memref<2x32x1000xf32, #tpu.memory_space<vmem>>, vector<16xf32>,
      %swap3A_518 = arith.index_cast %scan3A : i32 to index
      %swap3A_519 = arith.index_cast %scan3A_282 : i32 to index
      %swap3A_520 = arith.constant 944 : index
      %swap3A_521 = tpu.vector_load %arg5[%swap3A_518, %swap3A_519, %swap3A_520] {strides = array<i32>} : memref<2x32x1000xf32, #tpu.memory_space<vmem>>, vector<16xf32>,
      tpu.vector_store %arg5[%swap3A_518, %swap3A_519, %swap3A_520], %broadcast_in_dim3A_5 {strides = array<i32>} : memref<2x32x1000xf32, #tpu.memory_space<vmem>>, vector<16xf32>,
      %swap3A_522 = arith.index_cast %scan3A : i32 to index
      %swap3A_523 = arith.index_cast %scan3A_282 : i32 to index
      %swap3A_524 = arith.constant 960 : index
      %swap3A_525 = tpu.vector_load %arg5[%swap3A_522, %swap3A_523, %swap3A_524] {strides = array<i32>} : memref<2x32x1000xf32, #tpu.memory_space<vmem>>, vector<16xf32>,
      tpu.vector_store %arg5[%swap3A_522, %swap3A_523, %swap3A_524], %broadcast_in_dim3A_5 {strides = array<i32>} : memref<2x32x1000xf32, #tpu.memory_space<vmem>>, vector<16xf32>,
      %swap3A_526 = arith.index_cast %scan3A : i32 to index
      %swap3A_527 = arith.index_cast %scan3A_282 : i32 to index
      %swap3A_528 = arith.constant 976 : index
      %swap3A_529 = tpu.vector_load %arg5[%swap3A_526, %swap3A_527, %swap3A_528] {strides = array<i32>} : memref<2x32x1000xf32, #tpu.memory_space<vmem>>, vector<16xf32>,
      tpu.vector_store %arg5[%swap3A_526, %swap3A_527, %swap3A_528], %broadcast_in_dim3A_5 {strides = array<i32>} : memref<2x32x1000xf32, #tpu.memory_space<vmem>>, vector<16xf32>,
      %broadcast_in_dim3A_530 = vector.broadcast %scan3A_282 : i32 to vector<16xi32>
      %scatter3A_531 = arith.constant 0 : i32
      %scatter3A_532 = arith.constant 0 : i32
      %scatter3A_533 = tpu.memref_slice %arg5[%scan3A, %scatter3A_531, %scatter3A_532] : memref<2x32x1000xf32, #tpu.memory_space<vmem>> -> memref<1x32x1000xf32, #tpu.memory_space<vmem>>
      %scatter3A_534 = tpu.memref_squeeze %scatter3A_533 : memref<1x32x1000xf32, #tpu.memory_space<vmem>> -> memref<32x1000xf32, #tpu.memory_space<vmem>>
      tpu.vector_store_idx %scatter3A_534[%broadcast_in_dim3A_530, %rem3A], %broadcast_in_dim3A_5 : memref<32x1000xf32, #tpu.memory_space<vmem>>[vector<16xi32>, vector<16xi32>], vector<16xf32>,
    }
    %scan3A_15 = arith.constant 32 : i32
    %scan3A_16 = arith.constant 1 : i32
    %scan3A_17 = arith.constant 0 : i32
    %scan3A_18 = arith.constant 32 : i32
    %scan3A_19 = arith.addi %scan3A_17, %scan3A_18 : i32
    %scan3A_20 = arith.constant 1 : i32
    scf.for %scan3A_282 = %scan3A_17 to %scan3A_19 step %scan3A_20  : i32 {
      %swap3A = arith.index_cast %scan3A_16 : i32 to index
      %swap3A_283 = arith.index_cast %scan3A_282 : i32 to index
      %swap3A_284 = arith.constant 0 : index
      %swap3A_285 = tpu.vector_load %arg5[%swap3A, %swap3A_283, %swap3A_284] {strides = array<i32>} : memref<2x32x1000xf32, #tpu.memory_space<vmem>>, vector<16xf32>,
      tpu.vector_store %arg5[%swap3A, %swap3A_283, %swap3A_284], %broadcast_in_dim3A_5 {strides = array<i32>} : memref<2x32x1000xf32, #tpu.memory_space<vmem>>, vector<16xf32>,
      %swap3A_286 = arith.index_cast %scan3A_16 : i32 to index
      %swap3A_287 = arith.index_cast %scan3A_282 : i32 to index
      %swap3A_288 = arith.constant 16 : index
      %swap3A_289 = tpu.vector_load %arg5[%swap3A_286, %swap3A_287, %swap3A_288] {strides = array<i32>} : memref<2x32x1000xf32, #tpu.memory_space<vmem>>, vector<16xf32>,
      tpu.vector_store %arg5[%swap3A_286, %swap3A_287, %swap3A_288], %broadcast_in_dim3A_5 {strides = array<i32>} : memref<2x32x1000xf32, #tpu.memory_space<vmem>>, vector<16xf32>,
      %swap3A_290 = arith.index_cast %scan3A_16 : i32 to index
      %swap3A_291 = arith.index_cast %scan3A_282 : i32 to index
      %swap3A_292 = arith.constant 32 : index
      %swap3A_293 = tpu.vector_load %arg5[%swap3A_290, %swap3A_291, %swap3A_292] {strides = array<i32>} : memref<2x32x1000xf32, #tpu.memory_space<vmem>>, vector<16xf32>,
      tpu.vector_store %arg5[%swap3A_290, %swap3A_291, %swap3A_292], %broadcast_in_dim3A_5 {strides = array<i32>} : memref<2x32x1000xf32, #tpu.memory_space<vmem>>, vector<16xf32>,
      %swap3A_294 = arith.index_cast %scan3A_16 : i32 to index
      %swap3A_295 = arith.index_cast %scan3A_282 : i32 to index
      %swap3A_296 = arith.constant 48 : index
      %swap3A_297 = tpu.vector_load %arg5[%swap3A_294, %swap3A_295, %swap3A_296] {strides = array<i32>} : memref<2x32x1000xf32, #tpu.memory_space<vmem>>, vector<16xf32>,
      tpu.vector_store %arg5[%swap3A_294, %swap3A_295, %swap3A_296], %broadcast_in_dim3A_5 {strides = array<i32>} : memref<2x32x1000xf32, #tpu.memory_space<vmem>>, vector<16xf32>,
      %swap3A_298 = arith.index_cast %scan3A_16 : i32 to index
      %swap3A_299 = arith.index_cast %scan3A_282 : i32 to index
      %swap3A_300 = arith.constant 64 : index
      %swap3A_301 = tpu.vector_load %arg5[%swap3A_298, %swap3A_299, %swap3A_300] {strides = array<i32>} : memref<2x32x1000xf32, #tpu.memory_space<vmem>>, vector<16xf32>,
      tpu.vector_store %arg5[%swap3A_298, %swap3A_299, %swap3A_300], %broadcast_in_dim3A_5 {strides = array<i32>} : memref<2x32x1000xf32, #tpu.memory_space<vmem>>, vector<16xf32>,
      %swap3A_302 = arith.index_cast %scan3A_16 : i32 to index
      %swap3A_303 = arith.index_cast %scan3A_282 : i32 to index
      %swap3A_304 = arith.constant 80 : index
      %swap3A_305 = tpu.vector_load %arg5[%swap3A_302, %swap3A_303, %swap3A_304] {strides = array<i32>} : memref<2x32x1000xf32, #tpu.memory_space<vmem>>, vector<16xf32>,
      tpu.vector_store %arg5[%swap3A_302, %swap3A_303, %swap3A_304], %broadcast_in_dim3A_5 {strides = array<i32>} : memref<2x32x1000xf32, #tpu.memory_space<vmem>>, vector<16xf32>,
      %swap3A_306 = arith.index_cast %scan3A_16 : i32 to index
      %swap3A_307 = arith.index_cast %scan3A_282 : i32 to index
      %swap3A_308 = arith.constant 96 : index
      %swap3A_309 = tpu.vector_load %arg5[%swap3A_306, %swap3A_307, %swap3A_308] {strides = array<i32>} : memref<2x32x1000xf32, #tpu.memory_space<vmem>>, vector<16xf32>,
      tpu.vector_store %arg5[%swap3A_306, %swap3A_307, %swap3A_308], %broadcast_in_dim3A_5 {strides = array<i32>} : memref<2x32x1000xf32, #tpu.memory_space<vmem>>, vector<16xf32>,
      %swap3A_310 = arith.index_cast %scan3A_16 : i32 to index
      %swap3A_311 = arith.index_cast %scan3A_282 : i32 to index
      %swap3A_312 = arith.constant 112 : index
      %swap3A_313 = tpu.vector_load %arg5[%swap3A_310, %swap3A_311, %swap3A_312] {strides = array<i32>} : memref<2x32x1000xf32, #tpu.memory_space<vmem>>, vector<16xf32>,
      tpu.vector_store %arg5[%swap3A_310, %swap3A_311, %swap3A_312], %broadcast_in_dim3A_5 {strides = array<i32>} : memref<2x32x1000xf32, #tpu.memory_space<vmem>>, vector<16xf32>,
      %swap3A_314 = arith.index_cast %scan3A_16 : i32 to index
      %swap3A_315 = arith.index_cast %scan3A_282 : i32 to index
      %swap3A_316 = arith.constant 128 : index
      %swap3A_317 = tpu.vector_load %arg5[%swap3A_314, %swap3A_315, %swap3A_316] {strides = array<i32>} : memref<2x32x1000xf32, #tpu.memory_space<vmem>>, vector<16xf32>,
      tpu.vector_store %arg5[%swap3A_314, %swap3A_315, %swap3A_316], %broadcast_in_dim3A_5 {strides = array<i32>} : memref<2x32x1000xf32, #tpu.memory_space<vmem>>, vector<16xf32>,
      %swap3A_318 = arith.index_cast %scan3A_16 : i32 to index
      %swap3A_319 = arith.index_cast %scan3A_282 : i32 to index
      %swap3A_320 = arith.constant 144 : index
      %swap3A_321 = tpu.vector_load %arg5[%swap3A_318, %swap3A_319, %swap3A_320] {strides = array<i32>} : memref<2x32x1000xf32, #tpu.memory_space<vmem>>, vector<16xf32>,
      tpu.vector_store %arg5[%swap3A_318, %swap3A_319, %swap3A_320], %broadcast_in_dim3A_5 {strides = array<i32>} : memref<2x32x1000xf32, #tpu.memory_space<vmem>>, vector<16xf32>,
      %swap3A_322 = arith.index_cast %scan3A_16 : i32 to index
      %swap3A_323 = arith.index_cast %scan3A_282 : i32 to index
      %swap3A_324 = arith.constant 160 : index
      %swap3A_325 = tpu.vector_load %arg5[%swap3A_322, %swap3A_323, %swap3A_324] {strides = array<i32>} : memref<2x32x1000xf32, #tpu.memory_space<vmem>>, vector<16xf32>,
      tpu.vector_store %arg5[%swap3A_322, %swap3A_323, %swap3A_324], %broadcast_in_dim3A_5 {strides = array<i32>} : memref<2x32x1000xf32, #tpu.memory_space<vmem>>, vector<16xf32>,
      %swap3A_326 = arith.index_cast %scan3A_16 : i32 to index
      %swap3A_327 = arith.index_cast %scan3A_282 : i32 to index
      %swap3A_328 = arith.constant 176 : index
      %swap3A_329 = tpu.vector_load %arg5[%swap3A_326, %swap3A_327, %swap3A_328] {strides = array<i32>} : memref<2x32x1000xf32, #tpu.memory_space<vmem>>, vector<16xf32>,
      tpu.vector_store %arg5[%swap3A_326, %swap3A_327, %swap3A_328], %broadcast_in_dim3A_5 {strides = array<i32>} : memref<2x32x1000xf32, #tpu.memory_space<vmem>>, vector<16xf32>,
      %swap3A_330 = arith.index_cast %scan3A_16 : i32 to index
      %swap3A_331 = arith.index_cast %scan3A_282 : i32 to index
      %swap3A_332 = arith.constant 192 : index
      %swap3A_333 = tpu.vector_load %arg5[%swap3A_330, %swap3A_331, %swap3A_332] {strides = array<i32>} : memref<2x32x1000xf32, #tpu.memory_space<vmem>>, vector<16xf32>,
      tpu.vector_store %arg5[%swap3A_330, %swap3A_331, %swap3A_332], %broadcast_in_dim3A_5 {strides = array<i32>} : memref<2x32x1000xf32, #tpu.memory_space<vmem>>, vector<16xf32>,
      %swap3A_334 = arith.index_cast %scan3A_16 : i32 to index
      %swap3A_335 = arith.index_cast %scan3A_282 : i32 to index
      %swap3A_336 = arith.constant 208 : index
      %swap3A_337 = tpu.vector_load %arg5[%swap3A_334, %swap3A_335, %swap3A_336] {strides = array<i32>} : memref<2x32x1000xf32, #tpu.memory_space<vmem>>, vector<16xf32>,
      tpu.vector_store %arg5[%swap3A_334, %swap3A_335, %swap3A_336], %broadcast_in_dim3A_5 {strides = array<i32>} : memref<2x32x1000xf32, #tpu.memory_space<vmem>>, vector<16xf32>,
      %swap3A_338 = arith.index_cast %scan3A_16 : i32 to index
      %swap3A_339 = arith.index_cast %scan3A_282 : i32 to index
      %swap3A_340 = arith.constant 224 : index
      %swap3A_341 = tpu.vector_load %arg5[%swap3A_338, %swap3A_339, %swap3A_340] {strides = array<i32>} : memref<2x32x1000xf32, #tpu.memory_space<vmem>>, vector<16xf32>,
      tpu.vector_store %arg5[%swap3A_338, %swap3A_339, %swap3A_340], %broadcast_in_dim3A_5 {strides = array<i32>} : memref<2x32x1000xf32, #tpu.memory_space<vmem>>, vector<16xf32>,
      %swap3A_342 = arith.index_cast %scan3A_16 : i32 to index
      %swap3A_343 = arith.index_cast %scan3A_282 : i32 to index
      %swap3A_344 = arith.constant 240 : index
      %swap3A_345 = tpu.vector_load %arg5[%swap3A_342, %swap3A_343, %swap3A_344] {strides = array<i32>} : memref<2x32x1000xf32, #tpu.memory_space<vmem>>, vector<16xf32>,
      tpu.vector_store %arg5[%swap3A_342, %swap3A_343, %swap3A_344], %broadcast_in_dim3A_5 {strides = array<i32>} : memref<2x32x1000xf32, #tpu.memory_space<vmem>>, vector<16xf32>,
      %swap3A_346 = arith.index_cast %scan3A_16 : i32 to index
      %swap3A_347 = arith.index_cast %scan3A_282 : i32 to index
      %swap3A_348 = arith.constant 256 : index
      %swap3A_349 = tpu.vector_load %arg5[%swap3A_346, %swap3A_347, %swap3A_348] {strides = array<i32>} : memref<2x32x1000xf32, #tpu.memory_space<vmem>>, vector<16xf32>,
      tpu.vector_store %arg5[%swap3A_346, %swap3A_347, %swap3A_348], %broadcast_in_dim3A_5 {strides = array<i32>} : memref<2x32x1000xf32, #tpu.memory_space<vmem>>, vector<16xf32>,
      %swap3A_350 = arith.index_cast %scan3A_16 : i32 to index
      %swap3A_351 = arith.index_cast %scan3A_282 : i32 to index
      %swap3A_352 = arith.constant 272 : index
      %swap3A_353 = tpu.vector_load %arg5[%swap3A_350, %swap3A_351, %swap3A_352] {strides = array<i32>} : memref<2x32x1000xf32, #tpu.memory_space<vmem>>, vector<16xf32>,
      tpu.vector_store %arg5[%swap3A_350, %swap3A_351, %swap3A_352], %broadcast_in_dim3A_5 {strides = array<i32>} : memref<2x32x1000xf32, #tpu.memory_space<vmem>>, vector<16xf32>,
      %swap3A_354 = arith.index_cast %scan3A_16 : i32 to index
      %swap3A_355 = arith.index_cast %scan3A_282 : i32 to index
      %swap3A_356 = arith.constant 288 : index
      %swap3A_357 = tpu.vector_load %arg5[%swap3A_354, %swap3A_355, %swap3A_356] {strides = array<i32>} : memref<2x32x1000xf32, #tpu.memory_space<vmem>>, vector<16xf32>,
      tpu.vector_store %arg5[%swap3A_354, %swap3A_355, %swap3A_356], %broadcast_in_dim3A_5 {strides = array<i32>} : memref<2x32x1000xf32, #tpu.memory_space<vmem>>, vector<16xf32>,
      %swap3A_358 = arith.index_cast %scan3A_16 : i32 to index
      %swap3A_359 = arith.index_cast %scan3A_282 : i32 to index
      %swap3A_360 = arith.constant 304 : index
      %swap3A_361 = tpu.vector_load %arg5[%swap3A_358, %swap3A_359, %swap3A_360] {strides = array<i32>} : memref<2x32x1000xf32, #tpu.memory_space<vmem>>, vector<16xf32>,
      tpu.vector_store %arg5[%swap3A_358, %swap3A_359, %swap3A_360], %broadcast_in_dim3A_5 {strides = array<i32>} : memref<2x32x1000xf32, #tpu.memory_space<vmem>>, vector<16xf32>,
      %swap3A_362 = arith.index_cast %scan3A_16 : i32 to index
      %swap3A_363 = arith.index_cast %scan3A_282 : i32 to index
      %swap3A_364 = arith.constant 320 : index
      %swap3A_365 = tpu.vector_load %arg5[%swap3A_362, %swap3A_363, %swap3A_364] {strides = array<i32>} : memref<2x32x1000xf32, #tpu.memory_space<vmem>>, vector<16xf32>,
      tpu.vector_store %arg5[%swap3A_362, %swap3A_363, %swap3A_364], %broadcast_in_dim3A_5 {strides = array<i32>} : memref<2x32x1000xf32, #tpu.memory_space<vmem>>, vector<16xf32>,
      %swap3A_366 = arith.index_cast %scan3A_16 : i32 to index
      %swap3A_367 = arith.index_cast %scan3A_282 : i32 to index
      %swap3A_368 = arith.constant 336 : index
      %swap3A_369 = tpu.vector_load %arg5[%swap3A_366, %swap3A_367, %swap3A_368] {strides = array<i32>} : memref<2x32x1000xf32, #tpu.memory_space<vmem>>, vector<16xf32>,
      tpu.vector_store %arg5[%swap3A_366, %swap3A_367, %swap3A_368], %broadcast_in_dim3A_5 {strides = array<i32>} : memref<2x32x1000xf32, #tpu.memory_space<vmem>>, vector<16xf32>,
      %swap3A_370 = arith.index_cast %scan3A_16 : i32 to index
      %swap3A_371 = arith.index_cast %scan3A_282 : i32 to index
      %swap3A_372 = arith.constant 352 : index
      %swap3A_373 = tpu.vector_load %arg5[%swap3A_370, %swap3A_371, %swap3A_372] {strides = array<i32>} : memref<2x32x1000xf32, #tpu.memory_space<vmem>>, vector<16xf32>,
      tpu.vector_store %arg5[%swap3A_370, %swap3A_371, %swap3A_372], %broadcast_in_dim3A_5 {strides = array<i32>} : memref<2x32x1000xf32, #tpu.memory_space<vmem>>, vector<16xf32>,
      %swap3A_374 = arith.index_cast %scan3A_16 : i32 to index
      %swap3A_375 = arith.index_cast %scan3A_282 : i32 to index
      %swap3A_376 = arith.constant 368 : index
      %swap3A_377 = tpu.vector_load %arg5[%swap3A_374, %swap3A_375, %swap3A_376] {strides = array<i32>} : memref<2x32x1000xf32, #tpu.memory_space<vmem>>, vector<16xf32>,
      tpu.vector_store %arg5[%swap3A_374, %swap3A_375, %swap3A_376], %broadcast_in_dim3A_5 {strides = array<i32>} : memref<2x32x1000xf32, #tpu.memory_space<vmem>>, vector<16xf32>,
      %swap3A_378 = arith.index_cast %scan3A_16 : i32 to index
      %swap3A_379 = arith.index_cast %scan3A_282 : i32 to index
      %swap3A_380 = arith.constant 384 : index
      %swap3A_381 = tpu.vector_load %arg5[%swap3A_378, %swap3A_379, %swap3A_380] {strides = array<i32>} : memref<2x32x1000xf32, #tpu.memory_space<vmem>>, vector<16xf32>,
      tpu.vector_store %arg5[%swap3A_378, %swap3A_379, %swap3A_380], %broadcast_in_dim3A_5 {strides = array<i32>} : memref<2x32x1000xf32, #tpu.memory_space<vmem>>, vector<16xf32>,
      %swap3A_382 = arith.index_cast %scan3A_16 : i32 to index
      %swap3A_383 = arith.index_cast %scan3A_282 : i32 to index
      %swap3A_384 = arith.constant 400 : index
      %swap3A_385 = tpu.vector_load %arg5[%swap3A_382, %swap3A_383, %swap3A_384] {strides = array<i32>} : memref<2x32x1000xf32, #tpu.memory_space<vmem>>, vector<16xf32>,
      tpu.vector_store %arg5[%swap3A_382, %swap3A_383, %swap3A_384], %broadcast_in_dim3A_5 {strides = array<i32>} : memref<2x32x1000xf32, #tpu.memory_space<vmem>>, vector<16xf32>,
      %swap3A_386 = arith.index_cast %scan3A_16 : i32 to index
      %swap3A_387 = arith.index_cast %scan3A_282 : i32 to index
      %swap3A_388 = arith.constant 416 : index
      %swap3A_389 = tpu.vector_load %arg5[%swap3A_386, %swap3A_387, %swap3A_388] {strides = array<i32>} : memref<2x32x1000xf32, #tpu.memory_space<vmem>>, vector<16xf32>,
      tpu.vector_store %arg5[%swap3A_386, %swap3A_387, %swap3A_388], %broadcast_in_dim3A_5 {strides = array<i32>} : memref<2x32x1000xf32, #tpu.memory_space<vmem>>, vector<16xf32>,
      %swap3A_390 = arith.index_cast %scan3A_16 : i32 to index
      %swap3A_391 = arith.index_cast %scan3A_282 : i32 to index
      %swap3A_392 = arith.constant 432 : index
      %swap3A_393 = tpu.vector_load %arg5[%swap3A_390, %swap3A_391, %swap3A_392] {strides = array<i32>} : memref<2x32x1000xf32, #tpu.memory_space<vmem>>, vector<16xf32>,
      tpu.vector_store %arg5[%swap3A_390, %swap3A_391, %swap3A_392], %broadcast_in_dim3A_5 {strides = array<i32>} : memref<2x32x1000xf32, #tpu.memory_space<vmem>>, vector<16xf32>,
      %swap3A_394 = arith.index_cast %scan3A_16 : i32 to index
      %swap3A_395 = arith.index_cast %scan3A_282 : i32 to index
      %swap3A_396 = arith.constant 448 : index
      %swap3A_397 = tpu.vector_load %arg5[%swap3A_394, %swap3A_395, %swap3A_396] {strides = array<i32>} : memref<2x32x1000xf32, #tpu.memory_space<vmem>>, vector<16xf32>,
      tpu.vector_store %arg5[%swap3A_394, %swap3A_395, %swap3A_396], %broadcast_in_dim3A_5 {strides = array<i32>} : memref<2x32x1000xf32, #tpu.memory_space<vmem>>, vector<16xf32>,
      %swap3A_398 = arith.index_cast %scan3A_16 : i32 to index
      %swap3A_399 = arith.index_cast %scan3A_282 : i32 to index
      %swap3A_400 = arith.constant 464 : index
      %swap3A_401 = tpu.vector_load %arg5[%swap3A_398, %swap3A_399, %swap3A_400] {strides = array<i32>} : memref<2x32x1000xf32, #tpu.memory_space<vmem>>, vector<16xf32>,
      tpu.vector_store %arg5[%swap3A_398, %swap3A_399, %swap3A_400], %broadcast_in_dim3A_5 {strides = array<i32>} : memref<2x32x1000xf32, #tpu.memory_space<vmem>>, vector<16xf32>,
      %swap3A_402 = arith.index_cast %scan3A_16 : i32 to index
      %swap3A_403 = arith.index_cast %scan3A_282 : i32 to index
      %swap3A_404 = arith.constant 480 : index
      %swap3A_405 = tpu.vector_load %arg5[%swap3A_402, %swap3A_403, %swap3A_404] {strides = array<i32>} : memref<2x32x1000xf32, #tpu.memory_space<vmem>>, vector<16xf32>,
      tpu.vector_store %arg5[%swap3A_402, %swap3A_403, %swap3A_404], %broadcast_in_dim3A_5 {strides = array<i32>} : memref<2x32x1000xf32, #tpu.memory_space<vmem>>, vector<16xf32>,
      %swap3A_406 = arith.index_cast %scan3A_16 : i32 to index
      %swap3A_407 = arith.index_cast %scan3A_282 : i32 to index
      %swap3A_408 = arith.constant 496 : index
      %swap3A_409 = tpu.vector_load %arg5[%swap3A_406, %swap3A_407, %swap3A_408] {strides = array<i32>} : memref<2x32x1000xf32, #tpu.memory_space<vmem>>, vector<16xf32>,
      tpu.vector_store %arg5[%swap3A_406, %swap3A_407, %swap3A_408], %broadcast_in_dim3A_5 {strides = array<i32>} : memref<2x32x1000xf32, #tpu.memory_space<vmem>>, vector<16xf32>,
      %swap3A_410 = arith.index_cast %scan3A_16 : i32 to index
      %swap3A_411 = arith.index_cast %scan3A_282 : i32 to index
      %swap3A_412 = arith.constant 512 : index
      %swap3A_413 = tpu.vector_load %arg5[%swap3A_410, %swap3A_411, %swap3A_412] {strides = array<i32>} : memref<2x32x1000xf32, #tpu.memory_space<vmem>>, vector<16xf32>,
      tpu.vector_store %arg5[%swap3A_410, %swap3A_411, %swap3A_412], %broadcast_in_dim3A_5 {strides = array<i32>} : memref<2x32x1000xf32, #tpu.memory_space<vmem>>, vector<16xf32>,
      %swap3A_414 = arith.index_cast %scan3A_16 : i32 to index
      %swap3A_415 = arith.index_cast %scan3A_282 : i32 to index
      %swap3A_416 = arith.constant 528 : index
      %swap3A_417 = tpu.vector_load %arg5[%swap3A_414, %swap3A_415, %swap3A_416] {strides = array<i32>} : memref<2x32x1000xf32, #tpu.memory_space<vmem>>, vector<16xf32>,
      tpu.vector_store %arg5[%swap3A_414, %swap3A_415, %swap3A_416], %broadcast_in_dim3A_5 {strides = array<i32>} : memref<2x32x1000xf32, #tpu.memory_space<vmem>>, vector<16xf32>,
      %swap3A_418 = arith.index_cast %scan3A_16 : i32 to index
      %swap3A_419 = arith.index_cast %scan3A_282 : i32 to index
      %swap3A_420 = arith.constant 544 : index
      %swap3A_421 = tpu.vector_load %arg5[%swap3A_418, %swap3A_419, %swap3A_420] {strides = array<i32>} : memref<2x32x1000xf32, #tpu.memory_space<vmem>>, vector<16xf32>,
      tpu.vector_store %arg5[%swap3A_418, %swap3A_419, %swap3A_420], %broadcast_in_dim3A_5 {strides = array<i32>} : memref<2x32x1000xf32, #tpu.memory_space<vmem>>, vector<16xf32>,
      %swap3A_422 = arith.index_cast %scan3A_16 : i32 to index
      %swap3A_423 = arith.index_cast %scan3A_282 : i32 to index
      %swap3A_424 = arith.constant 560 : index
      %swap3A_425 = tpu.vector_load %arg5[%swap3A_422, %swap3A_423, %swap3A_424] {strides = array<i32>} : memref<2x32x1000xf32, #tpu.memory_space<vmem>>, vector<16xf32>,
      tpu.vector_store %arg5[%swap3A_422, %swap3A_423, %swap3A_424], %broadcast_in_dim3A_5 {strides = array<i32>} : memref<2x32x1000xf32, #tpu.memory_space<vmem>>, vector<16xf32>,
      %swap3A_426 = arith.index_cast %scan3A_16 : i32 to index
      %swap3A_427 = arith.index_cast %scan3A_282 : i32 to index
      %swap3A_428 = arith.constant 576 : index
      %swap3A_429 = tpu.vector_load %arg5[%swap3A_426, %swap3A_427, %swap3A_428] {strides = array<i32>} : memref<2x32x1000xf32, #tpu.memory_space<vmem>>, vector<16xf32>,
      tpu.vector_store %arg5[%swap3A_426, %swap3A_427, %swap3A_428], %broadcast_in_dim3A_5 {strides = array<i32>} : memref<2x32x1000xf32, #tpu.memory_space<vmem>>, vector<16xf32>,
      %swap3A_430 = arith.index_cast %scan3A_16 : i32 to index
      %swap3A_431 = arith.index_cast %scan3A_282 : i32 to index
      %swap3A_432 = arith.constant 592 : index
      %swap3A_433 = tpu.vector_load %arg5[%swap3A_430, %swap3A_431, %swap3A_432] {strides = array<i32>} : memref<2x32x1000xf32, #tpu.memory_space<vmem>>, vector<16xf32>,
      tpu.vector_store %arg5[%swap3A_430, %swap3A_431, %swap3A_432], %broadcast_in_dim3A_5 {strides = array<i32>} : memref<2x32x1000xf32, #tpu.memory_space<vmem>>, vector<16xf32>,
      %swap3A_434 = arith.index_cast %scan3A_16 : i32 to index
      %swap3A_435 = arith.index_cast %scan3A_282 : i32 to index
      %swap3A_436 = arith.constant 608 : index
      %swap3A_437 = tpu.vector_load %arg5[%swap3A_434, %swap3A_435, %swap3A_436] {strides = array<i32>} : memref<2x32x1000xf32, #tpu.memory_space<vmem>>, vector<16xf32>,
      tpu.vector_store %arg5[%swap3A_434, %swap3A_435, %swap3A_436], %broadcast_in_dim3A_5 {strides = array<i32>} : memref<2x32x1000xf32, #tpu.memory_space<vmem>>, vector<16xf32>,
      %swap3A_438 = arith.index_cast %scan3A_16 : i32 to index
      %swap3A_439 = arith.index_cast %scan3A_282 : i32 to index
      %swap3A_440 = arith.constant 624 : index
      %swap3A_441 = tpu.vector_load %arg5[%swap3A_438, %swap3A_439, %swap3A_440] {strides = array<i32>} : memref<2x32x1000xf32, #tpu.memory_space<vmem>>, vector<16xf32>,
      tpu.vector_store %arg5[%swap3A_438, %swap3A_439, %swap3A_440], %broadcast_in_dim3A_5 {strides = array<i32>} : memref<2x32x1000xf32, #tpu.memory_space<vmem>>, vector<16xf32>,
      %swap3A_442 = arith.index_cast %scan3A_16 : i32 to index
      %swap3A_443 = arith.index_cast %scan3A_282 : i32 to index
      %swap3A_444 = arith.constant 640 : index
      %swap3A_445 = tpu.vector_load %arg5[%swap3A_442, %swap3A_443, %swap3A_444] {strides = array<i32>} : memref<2x32x1000xf32, #tpu.memory_space<vmem>>, vector<16xf32>,
      tpu.vector_store %arg5[%swap3A_442, %swap3A_443, %swap3A_444], %broadcast_in_dim3A_5 {strides = array<i32>} : memref<2x32x1000xf32, #tpu.memory_space<vmem>>, vector<16xf32>,
      %swap3A_446 = arith.index_cast %scan3A_16 : i32 to index
      %swap3A_447 = arith.index_cast %scan3A_282 : i32 to index
      %swap3A_448 = arith.constant 656 : index
      %swap3A_449 = tpu.vector_load %arg5[%swap3A_446, %swap3A_447, %swap3A_448] {strides = array<i32>} : memref<2x32x1000xf32, #tpu.memory_space<vmem>>, vector<16xf32>,
      tpu.vector_store %arg5[%swap3A_446, %swap3A_447, %swap3A_448], %broadcast_in_dim3A_5 {strides = array<i32>} : memref<2x32x1000xf32, #tpu.memory_space<vmem>>, vector<16xf32>,
      %swap3A_450 = arith.index_cast %scan3A_16 : i32 to index
      %swap3A_451 = arith.index_cast %scan3A_282 : i32 to index
      %swap3A_452 = arith.constant 672 : index
      %swap3A_453 = tpu.vector_load %arg5[%swap3A_450, %swap3A_451, %swap3A_452] {strides = array<i32>} : memref<2x32x1000xf32, #tpu.memory_space<vmem>>, vector<16xf32>,
      tpu.vector_store %arg5[%swap3A_450, %swap3A_451, %swap3A_452], %broadcast_in_dim3A_5 {strides = array<i32>} : memref<2x32x1000xf32, #tpu.memory_space<vmem>>, vector<16xf32>,
      %swap3A_454 = arith.index_cast %scan3A_16 : i32 to index
      %swap3A_455 = arith.index_cast %scan3A_282 : i32 to index
      %swap3A_456 = arith.constant 688 : index
      %swap3A_457 = tpu.vector_load %arg5[%swap3A_454, %swap3A_455, %swap3A_456] {strides = array<i32>} : memref<2x32x1000xf32, #tpu.memory_space<vmem>>, vector<16xf32>,
      tpu.vector_store %arg5[%swap3A_454, %swap3A_455, %swap3A_456], %broadcast_in_dim3A_5 {strides = array<i32>} : memref<2x32x1000xf32, #tpu.memory_space<vmem>>, vector<16xf32>,
      %swap3A_458 = arith.index_cast %scan3A_16 : i32 to index
      %swap3A_459 = arith.index_cast %scan3A_282 : i32 to index
      %swap3A_460 = arith.constant 704 : index
      %swap3A_461 = tpu.vector_load %arg5[%swap3A_458, %swap3A_459, %swap3A_460] {strides = array<i32>} : memref<2x32x1000xf32, #tpu.memory_space<vmem>>, vector<16xf32>,
      tpu.vector_store %arg5[%swap3A_458, %swap3A_459, %swap3A_460], %broadcast_in_dim3A_5 {strides = array<i32>} : memref<2x32x1000xf32, #tpu.memory_space<vmem>>, vector<16xf32>,
      %swap3A_462 = arith.index_cast %scan3A_16 : i32 to index
      %swap3A_463 = arith.index_cast %scan3A_282 : i32 to index
      %swap3A_464 = arith.constant 720 : index
      %swap3A_465 = tpu.vector_load %arg5[%swap3A_462, %swap3A_463, %swap3A_464] {strides = array<i32>} : memref<2x32x1000xf32, #tpu.memory_space<vmem>>, vector<16xf32>,
      tpu.vector_store %arg5[%swap3A_462, %swap3A_463, %swap3A_464], %broadcast_in_dim3A_5 {strides = array<i32>} : memref<2x32x1000xf32, #tpu.memory_space<vmem>>, vector<16xf32>,
      %swap3A_466 = arith.index_cast %scan3A_16 : i32 to index
      %swap3A_467 = arith.index_cast %scan3A_282 : i32 to index
      %swap3A_468 = arith.constant 736 : index
      %swap3A_469 = tpu.vector_load %arg5[%swap3A_466, %swap3A_467, %swap3A_468] {strides = array<i32>} : memref<2x32x1000xf32, #tpu.memory_space<vmem>>, vector<16xf32>,
      tpu.vector_store %arg5[%swap3A_466, %swap3A_467, %swap3A_468], %broadcast_in_dim3A_5 {strides = array<i32>} : memref<2x32x1000xf32, #tpu.memory_space<vmem>>, vector<16xf32>,
      %swap3A_470 = arith.index_cast %scan3A_16 : i32 to index
      %swap3A_471 = arith.index_cast %scan3A_282 : i32 to index
      %swap3A_472 = arith.constant 752 : index
      %swap3A_473 = tpu.vector_load %arg5[%swap3A_470, %swap3A_471, %swap3A_472] {strides = array<i32>} : memref<2x32x1000xf32, #tpu.memory_space<vmem>>, vector<16xf32>,
      tpu.vector_store %arg5[%swap3A_470, %swap3A_471, %swap3A_472], %broadcast_in_dim3A_5 {strides = array<i32>} : memref<2x32x1000xf32, #tpu.memory_space<vmem>>, vector<16xf32>,
      %swap3A_474 = arith.index_cast %scan3A_16 : i32 to index
      %swap3A_475 = arith.index_cast %scan3A_282 : i32 to index
      %swap3A_476 = arith.constant 768 : index
      %swap3A_477 = tpu.vector_load %arg5[%swap3A_474, %swap3A_475, %swap3A_476] {strides = array<i32>} : memref<2x32x1000xf32, #tpu.memory_space<vmem>>, vector<16xf32>,
      tpu.vector_store %arg5[%swap3A_474, %swap3A_475, %swap3A_476], %broadcast_in_dim3A_5 {strides = array<i32>} : memref<2x32x1000xf32, #tpu.memory_space<vmem>>, vector<16xf32>,
      %swap3A_478 = arith.index_cast %scan3A_16 : i32 to index
      %swap3A_479 = arith.index_cast %scan3A_282 : i32 to index
      %swap3A_480 = arith.constant 784 : index
      %swap3A_481 = tpu.vector_load %arg5[%swap3A_478, %swap3A_479, %swap3A_480] {strides = array<i32>} : memref<2x32x1000xf32, #tpu.memory_space<vmem>>, vector<16xf32>,
      tpu.vector_store %arg5[%swap3A_478, %swap3A_479, %swap3A_480], %broadcast_in_dim3A_5 {strides = array<i32>} : memref<2x32x1000xf32, #tpu.memory_space<vmem>>, vector<16xf32>,
      %swap3A_482 = arith.index_cast %scan3A_16 : i32 to index
      %swap3A_483 = arith.index_cast %scan3A_282 : i32 to index
      %swap3A_484 = arith.constant 800 : index
      %swap3A_485 = tpu.vector_load %arg5[%swap3A_482, %swap3A_483, %swap3A_484] {strides = array<i32>} : memref<2x32x1000xf32, #tpu.memory_space<vmem>>, vector<16xf32>,
      tpu.vector_store %arg5[%swap3A_482, %swap3A_483, %swap3A_484], %broadcast_in_dim3A_5 {strides = array<i32>} : memref<2x32x1000xf32, #tpu.memory_space<vmem>>, vector<16xf32>,
      %swap3A_486 = arith.index_cast %scan3A_16 : i32 to index
      %swap3A_487 = arith.index_cast %scan3A_282 : i32 to index
      %swap3A_488 = arith.constant 816 : index
      %swap3A_489 = tpu.vector_load %arg5[%swap3A_486, %swap3A_487, %swap3A_488] {strides = array<i32>} : memref<2x32x1000xf32, #tpu.memory_space<vmem>>, vector<16xf32>,
      tpu.vector_store %arg5[%swap3A_486, %swap3A_487, %swap3A_488], %broadcast_in_dim3A_5 {strides = array<i32>} : memref<2x32x1000xf32, #tpu.memory_space<vmem>>, vector<16xf32>,
      %swap3A_490 = arith.index_cast %scan3A_16 : i32 to index
      %swap3A_491 = arith.index_cast %scan3A_282 : i32 to index
      %swap3A_492 = arith.constant 832 : index
      %swap3A_493 = tpu.vector_load %arg5[%swap3A_490, %swap3A_491, %swap3A_492] {strides = array<i32>} : memref<2x32x1000xf32, #tpu.memory_space<vmem>>, vector<16xf32>,
      tpu.vector_store %arg5[%swap3A_490, %swap3A_491, %swap3A_492], %broadcast_in_dim3A_5 {strides = array<i32>} : memref<2x32x1000xf32, #tpu.memory_space<vmem>>, vector<16xf32>,
      %swap3A_494 = arith.index_cast %scan3A_16 : i32 to index
      %swap3A_495 = arith.index_cast %scan3A_282 : i32 to index
      %swap3A_496 = arith.constant 848 : index
      %swap3A_497 = tpu.vector_load %arg5[%swap3A_494, %swap3A_495, %swap3A_496] {strides = array<i32>} : memref<2x32x1000xf32, #tpu.memory_space<vmem>>, vector<16xf32>,
      tpu.vector_store %arg5[%swap3A_494, %swap3A_495, %swap3A_496], %broadcast_in_dim3A_5 {strides = array<i32>} : memref<2x32x1000xf32, #tpu.memory_space<vmem>>, vector<16xf32>,
      %swap3A_498 = arith.index_cast %scan3A_16 : i32 to index
      %swap3A_499 = arith.index_cast %scan3A_282 : i32 to index
      %swap3A_500 = arith.constant 864 : index
      %swap3A_501 = tpu.vector_load %arg5[%swap3A_498, %swap3A_499, %swap3A_500] {strides = array<i32>} : memref<2x32x1000xf32, #tpu.memory_space<vmem>>, vector<16xf32>,
      tpu.vector_store %arg5[%swap3A_498, %swap3A_499, %swap3A_500], %broadcast_in_dim3A_5 {strides = array<i32>} : memref<2x32x1000xf32, #tpu.memory_space<vmem>>, vector<16xf32>,
      %swap3A_502 = arith.index_cast %scan3A_16 : i32 to index
      %swap3A_503 = arith.index_cast %scan3A_282 : i32 to index
      %swap3A_504 = arith.constant 880 : index
      %swap3A_505 = tpu.vector_load %arg5[%swap3A_502, %swap3A_503, %swap3A_504] {strides = array<i32>} : memref<2x32x1000xf32, #tpu.memory_space<vmem>>, vector<16xf32>,
      tpu.vector_store %arg5[%swap3A_502, %swap3A_503, %swap3A_504], %broadcast_in_dim3A_5 {strides = array<i32>} : memref<2x32x1000xf32, #tpu.memory_space<vmem>>, vector<16xf32>,
      %swap3A_506 = arith.index_cast %scan3A_16 : i32 to index
      %swap3A_507 = arith.index_cast %scan3A_282 : i32 to index
      %swap3A_508 = arith.constant 896 : index
      %swap3A_509 = tpu.vector_load %arg5[%swap3A_506, %swap3A_507, %swap3A_508] {strides = array<i32>} : memref<2x32x1000xf32, #tpu.memory_space<vmem>>, vector<16xf32>,
      tpu.vector_store %arg5[%swap3A_506, %swap3A_507, %swap3A_508], %broadcast_in_dim3A_5 {strides = array<i32>} : memref<2x32x1000xf32, #tpu.memory_space<vmem>>, vector<16xf32>,
      %swap3A_510 = arith.index_cast %scan3A_16 : i32 to index
      %swap3A_511 = arith.index_cast %scan3A_282 : i32 to index
      %swap3A_512 = arith.constant 912 : index
      %swap3A_513 = tpu.vector_load %arg5[%swap3A_510, %swap3A_511, %swap3A_512] {strides = array<i32>} : memref<2x32x1000xf32, #tpu.memory_space<vmem>>, vector<16xf32>,
      tpu.vector_store %arg5[%swap3A_510, %swap3A_511, %swap3A_512], %broadcast_in_dim3A_5 {strides = array<i32>} : memref<2x32x1000xf32, #tpu.memory_space<vmem>>, vector<16xf32>,
      %swap3A_514 = arith.index_cast %scan3A_16 : i32 to index
      %swap3A_515 = arith.index_cast %scan3A_282 : i32 to index
      %swap3A_516 = arith.constant 928 : index
      %swap3A_517 = tpu.vector_load %arg5[%swap3A_514, %swap3A_515, %swap3A_516] {strides = array<i32>} : memref<2x32x1000xf32, #tpu.memory_space<vmem>>, vector<16xf32>,
      tpu.vector_store %arg5[%swap3A_514, %swap3A_515, %swap3A_516], %broadcast_in_dim3A_5 {strides = array<i32>} : memref<2x32x1000xf32, #tpu.memory_space<vmem>>, vector<16xf32>,
      %swap3A_518 = arith.index_cast %scan3A_16 : i32 to index
      %swap3A_519 = arith.index_cast %scan3A_282 : i32 to index
      %swap3A_520 = arith.constant 944 : index
      %swap3A_521 = tpu.vector_load %arg5[%swap3A_518, %swap3A_519, %swap3A_520] {strides = array<i32>} : memref<2x32x1000xf32, #tpu.memory_space<vmem>>, vector<16xf32>,
      tpu.vector_store %arg5[%swap3A_518, %swap3A_519, %swap3A_520], %broadcast_in_dim3A_5 {strides = array<i32>} : memref<2x32x1000xf32, #tpu.memory_space<vmem>>, vector<16xf32>,
      %swap3A_522 = arith.index_cast %scan3A_16 : i32 to index
      %swap3A_523 = arith.index_cast %scan3A_282 : i32 to index
      %swap3A_524 = arith.constant 960 : index
      %swap3A_525 = tpu.vector_load %arg5[%swap3A_522, %swap3A_523, %swap3A_524] {strides = array<i32>} : memref<2x32x1000xf32, #tpu.memory_space<vmem>>, vector<16xf32>,
      tpu.vector_store %arg5[%swap3A_522, %swap3A_523, %swap3A_524], %broadcast_in_dim3A_5 {strides = array<i32>} : memref<2x32x1000xf32, #tpu.memory_space<vmem>>, vector<16xf32>,
      %swap3A_526 = arith.index_cast %scan3A_16 : i32 to index
      %swap3A_527 = arith.index_cast %scan3A_282 : i32 to index
      %swap3A_528 = arith.constant 976 : index
      %swap3A_529 = tpu.vector_load %arg5[%swap3A_526, %swap3A_527, %swap3A_528] {strides = array<i32>} : memref<2x32x1000xf32, #tpu.memory_space<vmem>>, vector<16xf32>,
      tpu.vector_store %arg5[%swap3A_526, %swap3A_527, %swap3A_528], %broadcast_in_dim3A_5 {strides = array<i32>} : memref<2x32x1000xf32, #tpu.memory_space<vmem>>, vector<16xf32>,
      %broadcast_in_dim3A_530 = vector.broadcast %scan3A_282 : i32 to vector<16xi32>
      %scatter3A_531 = arith.constant 0 : i32
      %scatter3A_532 = arith.constant 0 : i32
      %scatter3A_533 = tpu.memref_slice %arg5[%scan3A_16, %scatter3A_531, %scatter3A_532] : memref<2x32x1000xf32, #tpu.memory_space<vmem>> -> memref<1x32x1000xf32, #tpu.memory_space<vmem>>
      %scatter3A_534 = tpu.memref_squeeze %scatter3A_533 : memref<1x32x1000xf32, #tpu.memory_space<vmem>> -> memref<32x1000xf32, #tpu.memory_space<vmem>>
      tpu.vector_store_idx %scatter3A_534[%broadcast_in_dim3A_530, %rem3A], %broadcast_in_dim3A_5 : memref<32x1000xf32, #tpu.memory_space<vmem>>[vector<16xi32>, vector<16xi32>], vector<16xf32>,
    }
    %scan3A_21 = arith.constant 32 : i32
    %broadcast_in_dim3A_22 = arith.constant 0 : i32
    %broadcast_in_dim3A_23 = vector.broadcast %broadcast_in_dim3A_22 : i32 to vector<16xi32>
    %add3A_24 = arith.addi %broadcast_in_dim3A_23, %iota3A : vector<16xi32>
    %get3A = arith.constant 0 : index
    %get3A_25 = tpu.vector_load %arg4[%get3A] {strides = array<i32>} : memref<128xi32, #tpu.memory_space<vmem>>, vector<16xi32>,
    %scatter3A = arith.constant 0 : i32
    %scatter3A_26 = arith.constant 0 : i32
    %scatter3A_27 = arith.constant 0 : i32
    %scatter3A_28 = tpu.memref_slice %arg5[%scatter3A, %scatter3A_26, %scatter3A_27] : memref<2x32x1000xf32, #tpu.memory_space<vmem>> -> memref<1x32x1000xf32, #tpu.memory_space<vmem>>
    %scatter3A_29 = tpu.memref_squeeze %scatter3A_28 : memref<1x32x1000xf32, #tpu.memory_space<vmem>> -> memref<32x1000xf32, #tpu.memory_space<vmem>>
    tpu.vector_store_idx %scatter3A_29[%add3A_24, %get3A_25], %broadcast_in_dim3A_3 : memref<32x1000xf32, #tpu.memory_space<vmem>>[vector<16xi32>, vector<16xi32>], vector<16xf32>,
    %broadcast_in_dim3A_30 = arith.constant 16 : i32
    %broadcast_in_dim3A_31 = vector.broadcast %broadcast_in_dim3A_30 : i32 to vector<16xi32>
    %add3A_32 = arith.addi %broadcast_in_dim3A_31, %iota3A : vector<16xi32>
    %get3A_33 = arith.constant 16 : index
    %get3A_34 = tpu.vector_load %arg4[%get3A_33] {strides = array<i32>} : memref<128xi32, #tpu.memory_space<vmem>>, vector<16xi32>,
    %scatter3A_35 = arith.constant 0 : i32
    %scatter3A_36 = arith.constant 0 : i32
    %scatter3A_37 = arith.constant 0 : i32
    %scatter3A_38 = tpu.memref_slice %arg5[%scatter3A_35, %scatter3A_36, %scatter3A_37] : memref<2x32x1000xf32, #tpu.memory_space<vmem>> -> memref<1x32x1000xf32, #tpu.memory_space<vmem>>
    %scatter3A_39 = tpu.memref_squeeze %scatter3A_38 : memref<1x32x1000xf32, #tpu.memory_space<vmem>> -> memref<32x1000xf32, #tpu.memory_space<vmem>>
    tpu.vector_store_idx %scatter3A_39[%add3A_32, %get3A_34], %broadcast_in_dim3A_3 : memref<32x1000xf32, #tpu.memory_space<vmem>>[vector<16xi32>, vector<16xi32>], vector<16xf32>,
    %add3A_40 = arith.constant 0 : i32
    %add3A_41 = arith.addi %mul3A_2, %add3A_40 : i32
    %dma_start3A = arith.constant 0 : i32
    %dma_start3A_42 = arith.constant 0 : i32
    %dma_start3A_43 = arith.constant 0 : i32
    %dma_start3A_44 = arith.constant 0 : i32
    %dma_start3A_45 = tpu.memref_slice %arg5[%dma_start3A, %dma_start3A_43, %dma_start3A_44] : memref<2x32x1000xf32, #tpu.memory_space<vmem>> -> memref<1x32x1000xf32, #tpu.memory_space<vmem>>
    %dma_start3A_46 = tpu.memref_squeeze %dma_start3A_45 : memref<1x32x1000xf32, #tpu.memory_space<vmem>> -> memref<32x1000xf32, #tpu.memory_space<vmem>>
    %dma_start3A_47 = arith.constant 0 : i32
    %dma_start3A_48 = tpu.memref_slice %arg3[%add3A_41, %dma_start3A_47] : memref<4096x1000xf32, #tpu.memory_space<hbm>> -> memref<32x1000xf32, #tpu.memory_space<hbm>>
    %dma_start3A_49 = tpu.memref_slice %arg6[%dma_start3A_42] : memref<2x!tpu.dma_semaphore, #tpu.memory_space<semaphore_mem>> -> memref<1x!tpu.dma_semaphore, #tpu.memory_space<semaphore_mem>>
    %dma_start3A_50 = tpu.memref_squeeze %dma_start3A_49 : memref<1x!tpu.dma_semaphore, #tpu.memory_space<semaphore_mem>> -> memref<!tpu.dma_semaphore, #tpu.memory_space<semaphore_mem>>
    %dma_start3A_51 = arith.constant 0 : i32
    %dma_start3A_52 = tpu.memref_slice %arg3[%add3A_41, %dma_start3A_51] : memref<4096x1000xf32, #tpu.memory_space<hbm>> -> memref<32x1000xf32, #tpu.memory_space<hbm>>
    %dma_start3A_53 = arith.constant 0 : i32
    %dma_start3A_54 = arith.constant 0 : i32
    %dma_start3A_55 = tpu.memref_slice %arg5[%dma_start3A, %dma_start3A_53, %dma_start3A_54] : memref<2x32x1000xf32, #tpu.memory_space<vmem>> -> memref<1x32x1000xf32, #tpu.memory_space<vmem>>
    %dma_start3A_56 = tpu.memref_squeeze %dma_start3A_55 : memref<1x32x1000xf32, #tpu.memory_space<vmem>> -> memref<32x1000xf32, #tpu.memory_space<vmem>>
    tpu.enqueue_dma source(%dma_start3A_56 : memref<32x1000xf32, #tpu.memory_space<vmem>>) target(%dma_start3A_52 : memref<32x1000xf32, #tpu.memory_space<hbm>>) target_semaphore(%dma_start3A_50 : memref<!tpu.dma_semaphore, #tpu.memory_space<semaphore_mem>>)
    %broadcast_in_dim3A_57 = arith.constant 0 : i32
    %broadcast_in_dim3A_58 = vector.broadcast %broadcast_in_dim3A_57 : i32 to vector<16xi32>
    %add3A_59 = arith.addi %broadcast_in_dim3A_58, %iota3A : vector<16xi32>
    %get3A_60 = arith.constant 32 : index
    %get3A_61 = tpu.vector_load %arg4[%get3A_60] {strides = array<i32>} : memref<128xi32, #tpu.memory_space<vmem>>, vector<16xi32>,
    %scatter3A_62 = arith.constant 1 : i32
    %scatter3A_63 = arith.constant 0 : i32
    %scatter3A_64 = arith.constant 0 : i32
    %scatter3A_65 = tpu.memref_slice %arg5[%scatter3A_62, %scatter3A_63, %scatter3A_64] : memref<2x32x1000xf32, #tpu.memory_space<vmem>> -> memref<1x32x1000xf32, #tpu.memory_space<vmem>>
    %scatter3A_66 = tpu.memref_squeeze %scatter3A_65 : memref<1x32x1000xf32, #tpu.memory_space<vmem>> -> memref<32x1000xf32, #tpu.memory_space<vmem>>
    tpu.vector_store_idx %scatter3A_66[%add3A_59, %get3A_61], %broadcast_in_dim3A_3 : memref<32x1000xf32, #tpu.memory_space<vmem>>[vector<16xi32>, vector<16xi32>], vector<16xf32>,
    %broadcast_in_dim3A_67 = arith.constant 16 : i32
    %broadcast_in_dim3A_68 = vector.broadcast %broadcast_in_dim3A_67 : i32 to vector<16xi32>
    %add3A_69 = arith.addi %broadcast_in_dim3A_68, %iota3A : vector<16xi32>
    %get3A_70 = arith.constant 48 : index
    %get3A_71 = tpu.vector_load %arg4[%get3A_70] {strides = array<i32>} : memref<128xi32, #tpu.memory_space<vmem>>, vector<16xi32>,
    %scatter3A_72 = arith.constant 1 : i32
    %scatter3A_73 = arith.constant 0 : i32
    %scatter3A_74 = arith.constant 0 : i32
    %scatter3A_75 = tpu.memref_slice %arg5[%scatter3A_72, %scatter3A_73, %scatter3A_74] : memref<2x32x1000xf32, #tpu.memory_space<vmem>> -> memref<1x32x1000xf32, #tpu.memory_space<vmem>>
    %scatter3A_76 = tpu.memref_squeeze %scatter3A_75 : memref<1x32x1000xf32, #tpu.memory_space<vmem>> -> memref<32x1000xf32, #tpu.memory_space<vmem>>
    tpu.vector_store_idx %scatter3A_76[%add3A_69, %get3A_71], %broadcast_in_dim3A_3 : memref<32x1000xf32, #tpu.memory_space<vmem>>[vector<16xi32>, vector<16xi32>], vector<16xf32>,
    %add3A_77 = arith.constant 32 : i32
    %add3A_78 = arith.addi %mul3A_2, %add3A_77 : i32
    %dma_start3A_79 = arith.constant 1 : i32
    %dma_start3A_80 = arith.constant 1 : i32
    %dma_start3A_81 = arith.constant 0 : i32
    %dma_start3A_82 = arith.constant 0 : i32
    %dma_start3A_83 = tpu.memref_slice %arg5[%dma_start3A_79, %dma_start3A_81, %dma_start3A_82] : memref<2x32x1000xf32, #tpu.memory_space<vmem>> -> memref<1x32x1000xf32, #tpu.memory_space<vmem>>
    %dma_start3A_84 = tpu.memref_squeeze %dma_start3A_83 : memref<1x32x1000xf32, #tpu.memory_space<vmem>> -> memref<32x1000xf32, #tpu.memory_space<vmem>>
    %dma_start3A_85 = arith.constant 0 : i32
    %dma_start3A_86 = tpu.memref_slice %arg3[%add3A_78, %dma_start3A_85] : memref<4096x1000xf32, #tpu.memory_space<hbm>> -> memref<32x1000xf32, #tpu.memory_space<hbm>>
    %dma_start3A_87 = tpu.memref_slice %arg6[%dma_start3A_80] : memref<2x!tpu.dma_semaphore, #tpu.memory_space<semaphore_mem>> -> memref<1x!tpu.dma_semaphore, #tpu.memory_space<semaphore_mem>>
    %dma_start3A_88 = tpu.memref_squeeze %dma_start3A_87 : memref<1x!tpu.dma_semaphore, #tpu.memory_space<semaphore_mem>> -> memref<!tpu.dma_semaphore, #tpu.memory_space<semaphore_mem>>
    %dma_start3A_89 = arith.constant 0 : i32
    %dma_start3A_90 = tpu.memref_slice %arg3[%add3A_78, %dma_start3A_89] : memref<4096x1000xf32, #tpu.memory_space<hbm>> -> memref<32x1000xf32, #tpu.memory_space<hbm>>
    %dma_start3A_91 = arith.constant 0 : i32
    %dma_start3A_92 = arith.constant 0 : i32
    %dma_start3A_93 = tpu.memref_slice %arg5[%dma_start3A_79, %dma_start3A_91, %dma_start3A_92] : memref<2x32x1000xf32, #tpu.memory_space<vmem>> -> memref<1x32x1000xf32, #tpu.memory_space<vmem>>
    %dma_start3A_94 = tpu.memref_squeeze %dma_start3A_93 : memref<1x32x1000xf32, #tpu.memory_space<vmem>> -> memref<32x1000xf32, #tpu.memory_space<vmem>>
    tpu.enqueue_dma source(%dma_start3A_94 : memref<32x1000xf32, #tpu.memory_space<vmem>>) target(%dma_start3A_90 : memref<32x1000xf32, #tpu.memory_space<hbm>>) target_semaphore(%dma_start3A_88 : memref<!tpu.dma_semaphore, #tpu.memory_space<semaphore_mem>>)
    %add3A_95 = arith.constant 0 : i32
    %add3A_96 = arith.addi %mul3A_2, %add3A_95 : i32
    %dma_wait3A = arith.constant 0 : i32
    %dma_wait3A_97 = arith.constant 0 : i32
    %dma_wait3A_98 = arith.constant 0 : i32
    %dma_wait3A_99 = arith.constant 0 : i32
    %dma_wait3A_100 = tpu.memref_slice %arg5[%dma_wait3A, %dma_wait3A_98, %dma_wait3A_99] : memref<2x32x1000xf32, #tpu.memory_space<vmem>> -> memref<1x32x1000xf32, #tpu.memory_space<vmem>>
    %dma_wait3A_101 = tpu.memref_squeeze %dma_wait3A_100 : memref<1x32x1000xf32, #tpu.memory_space<vmem>> -> memref<32x1000xf32, #tpu.memory_space<vmem>>
    %dma_wait3A_102 = arith.constant 0 : i32
    %dma_wait3A_103 = tpu.memref_slice %arg3[%add3A_96, %dma_wait3A_102] : memref<4096x1000xf32, #tpu.memory_space<hbm>> -> memref<32x1000xf32, #tpu.memory_space<hbm>>
    %dma_wait3A_104 = tpu.memref_slice %arg6[%dma_wait3A_97] : memref<2x!tpu.dma_semaphore, #tpu.memory_space<semaphore_mem>> -> memref<1x!tpu.dma_semaphore, #tpu.memory_space<semaphore_mem>>
    %dma_wait3A_105 = tpu.memref_squeeze %dma_wait3A_104 : memref<1x!tpu.dma_semaphore, #tpu.memory_space<semaphore_mem>> -> memref<!tpu.dma_semaphore, #tpu.memory_space<semaphore_mem>>
    %dma_wait3A_106 = arith.constant 0 : i32
    %dma_wait3A_107 = tpu.memref_slice %arg3[%add3A_96, %dma_wait3A_106] : memref<4096x1000xf32, #tpu.memory_space<hbm>> -> memref<32x1000xf32, #tpu.memory_space<hbm>>
    %dma_wait3A_108 = arith.constant 0 : i32
    %dma_wait3A_109 = arith.constant 0 : i32
    %dma_wait3A_110 = tpu.memref_slice %arg5[%dma_wait3A, %dma_wait3A_108, %dma_wait3A_109] : memref<2x32x1000xf32, #tpu.memory_space<vmem>> -> memref<1x32x1000xf32, #tpu.memory_space<vmem>>
    %dma_wait3A_111 = tpu.memref_squeeze %dma_wait3A_110 : memref<1x32x1000xf32, #tpu.memory_space<vmem>> -> memref<32x1000xf32, #tpu.memory_space<vmem>>
    tpu.wait_dma2 semaphore(%dma_wait3A_105 : memref<!tpu.dma_semaphore, #tpu.memory_space<semaphore_mem>>) src(%dma_wait3A_111 : memref<32x1000xf32, #tpu.memory_space<vmem>>) dst(%dma_wait3A_107 : memref<32x1000xf32, #tpu.memory_space<hbm>>)
    %broadcast_in_dim3A_112 = arith.constant 0 : i32
    %broadcast_in_dim3A_113 = vector.broadcast %broadcast_in_dim3A_112 : i32 to vector<16xi32>
    %add3A_114 = arith.addi %broadcast_in_dim3A_113, %iota3A : vector<16xi32>
    %get3A_115 = arith.constant 0 : index
    %get3A_116 = tpu.vector_load %arg4[%get3A_115] {strides = array<i32>} : memref<128xi32, #tpu.memory_space<vmem>>, vector<16xi32>,
    %scatter3A_117 = arith.constant 0 : i32
    %scatter3A_118 = arith.constant 0 : i32
    %scatter3A_119 = arith.constant 0 : i32
    %scatter3A_120 = tpu.memref_slice %arg5[%scatter3A_117, %scatter3A_118, %scatter3A_119] : memref<2x32x1000xf32, #tpu.memory_space<vmem>> -> memref<1x32x1000xf32, #tpu.memory_space<vmem>>
    %scatter3A_121 = tpu.memref_squeeze %scatter3A_120 : memref<1x32x1000xf32, #tpu.memory_space<vmem>> -> memref<32x1000xf32, #tpu.memory_space<vmem>>
    tpu.vector_store_idx %scatter3A_121[%add3A_114, %get3A_116], %broadcast_in_dim3A_5 : memref<32x1000xf32, #tpu.memory_space<vmem>>[vector<16xi32>, vector<16xi32>], vector<16xf32>,
    %broadcast_in_dim3A_122 = arith.constant 16 : i32
    %broadcast_in_dim3A_123 = vector.broadcast %broadcast_in_dim3A_122 : i32 to vector<16xi32>
    %add3A_124 = arith.addi %broadcast_in_dim3A_123, %iota3A : vector<16xi32>
    %get3A_125 = arith.constant 16 : index
    %get3A_126 = tpu.vector_load %arg4[%get3A_125] {strides = array<i32>} : memref<128xi32, #tpu.memory_space<vmem>>, vector<16xi32>,
    %scatter3A_127 = arith.constant 0 : i32
    %scatter3A_128 = arith.constant 0 : i32
    %scatter3A_129 = arith.constant 0 : i32
    %scatter3A_130 = tpu.memref_slice %arg5[%scatter3A_127, %scatter3A_128, %scatter3A_129] : memref<2x32x1000xf32, #tpu.memory_space<vmem>> -> memref<1x32x1000xf32, #tpu.memory_space<vmem>>
    %scatter3A_131 = tpu.memref_squeeze %scatter3A_130 : memref<1x32x1000xf32, #tpu.memory_space<vmem>> -> memref<32x1000xf32, #tpu.memory_space<vmem>>
    tpu.vector_store_idx %scatter3A_131[%add3A_124, %get3A_126], %broadcast_in_dim3A_5 : memref<32x1000xf32, #tpu.memory_space<vmem>>[vector<16xi32>, vector<16xi32>], vector<16xf32>,
    %broadcast_in_dim3A_132 = arith.constant 0 : i32
    %broadcast_in_dim3A_133 = vector.broadcast %broadcast_in_dim3A_132 : i32 to vector<16xi32>
    %add3A_134 = arith.addi %broadcast_in_dim3A_133, %iota3A : vector<16xi32>
    %get3A_135 = arith.constant 64 : index
    %get3A_136 = tpu.vector_load %arg4[%get3A_135] {strides = array<i32>} : memref<128xi32, #tpu.memory_space<vmem>>, vector<16xi32>,
    %scatter3A_137 = arith.constant 0 : i32
    %scatter3A_138 = arith.constant 0 : i32
    %scatter3A_139 = arith.constant 0 : i32
    %scatter3A_140 = tpu.memref_slice %arg5[%scatter3A_137, %scatter3A_138, %scatter3A_139] : memref<2x32x1000xf32, #tpu.memory_space<vmem>> -> memref<1x32x1000xf32, #tpu.memory_space<vmem>>
    %scatter3A_141 = tpu.memref_squeeze %scatter3A_140 : memref<1x32x1000xf32, #tpu.memory_space<vmem>> -> memref<32x1000xf32, #tpu.memory_space<vmem>>
    tpu.vector_store_idx %scatter3A_141[%add3A_134, %get3A_136], %broadcast_in_dim3A_3 : memref<32x1000xf32, #tpu.memory_space<vmem>>[vector<16xi32>, vector<16xi32>], vector<16xf32>,
    %broadcast_in_dim3A_142 = arith.constant 16 : i32
    %broadcast_in_dim3A_143 = vector.broadcast %broadcast_in_dim3A_142 : i32 to vector<16xi32>
    %add3A_144 = arith.addi %broadcast_in_dim3A_143, %iota3A : vector<16xi32>
    %get3A_145 = arith.constant 80 : index
    %get3A_146 = tpu.vector_load %arg4[%get3A_145] {strides = array<i32>} : memref<128xi32, #tpu.memory_space<vmem>>, vector<16xi32>,
    %scatter3A_147 = arith.constant 0 : i32
    %scatter3A_148 = arith.constant 0 : i32
    %scatter3A_149 = arith.constant 0 : i32
    %scatter3A_150 = tpu.memref_slice %arg5[%scatter3A_147, %scatter3A_148, %scatter3A_149] : memref<2x32x1000xf32, #tpu.memory_space<vmem>> -> memref<1x32x1000xf32, #tpu.memory_space<vmem>>
    %scatter3A_151 = tpu.memref_squeeze %scatter3A_150 : memref<1x32x1000xf32, #tpu.memory_space<vmem>> -> memref<32x1000xf32, #tpu.memory_space<vmem>>
    tpu.vector_store_idx %scatter3A_151[%add3A_144, %get3A_146], %broadcast_in_dim3A_3 : memref<32x1000xf32, #tpu.memory_space<vmem>>[vector<16xi32>, vector<16xi32>], vector<16xf32>,
    %add3A_152 = arith.constant 64 : i32
    %add3A_153 = arith.addi %mul3A_2, %add3A_152 : i32
    %dma_start3A_154 = arith.constant 0 : i32
    %dma_start3A_155 = arith.constant 0 : i32
    %dma_start3A_156 = arith.constant 0 : i32
    %dma_start3A_157 = arith.constant 0 : i32
    %dma_start3A_158 = tpu.memref_slice %arg5[%dma_start3A_154, %dma_start3A_156, %dma_start3A_157] : memref<2x32x1000xf32, #tpu.memory_space<vmem>> -> memref<1x32x1000xf32, #tpu.memory_space<vmem>>
    %dma_start3A_159 = tpu.memref_squeeze %dma_start3A_158 : memref<1x32x1000xf32, #tpu.memory_space<vmem>> -> memref<32x1000xf32, #tpu.memory_space<vmem>>
    %dma_start3A_160 = arith.constant 0 : i32
    %dma_start3A_161 = tpu.memref_slice %arg3[%add3A_153, %dma_start3A_160] : memref<4096x1000xf32, #tpu.memory_space<hbm>> -> memref<32x1000xf32, #tpu.memory_space<hbm>>
    %dma_start3A_162 = tpu.memref_slice %arg6[%dma_start3A_155] : memref<2x!tpu.dma_semaphore, #tpu.memory_space<semaphore_mem>> -> memref<1x!tpu.dma_semaphore, #tpu.memory_space<semaphore_mem>>
    %dma_start3A_163 = tpu.memref_squeeze %dma_start3A_162 : memref<1x!tpu.dma_semaphore, #tpu.memory_space<semaphore_mem>> -> memref<!tpu.dma_semaphore, #tpu.memory_space<semaphore_mem>>
    %dma_start3A_164 = arith.constant 0 : i32
    %dma_start3A_165 = tpu.memref_slice %arg3[%add3A_153, %dma_start3A_164] : memref<4096x1000xf32, #tpu.memory_space<hbm>> -> memref<32x1000xf32, #tpu.memory_space<hbm>>
    %dma_start3A_166 = arith.constant 0 : i32
    %dma_start3A_167 = arith.constant 0 : i32
    %dma_start3A_168 = tpu.memref_slice %arg5[%dma_start3A_154, %dma_start3A_166, %dma_start3A_167] : memref<2x32x1000xf32, #tpu.memory_space<vmem>> -> memref<1x32x1000xf32, #tpu.memory_space<vmem>>
    %dma_start3A_169 = tpu.memref_squeeze %dma_start3A_168 : memref<1x32x1000xf32, #tpu.memory_space<vmem>> -> memref<32x1000xf32, #tpu.memory_space<vmem>>
    tpu.enqueue_dma source(%dma_start3A_169 : memref<32x1000xf32, #tpu.memory_space<vmem>>) target(%dma_start3A_165 : memref<32x1000xf32, #tpu.memory_space<hbm>>) target_semaphore(%dma_start3A_163 : memref<!tpu.dma_semaphore, #tpu.memory_space<semaphore_mem>>)
    %add3A_170 = arith.constant 32 : i32
    %add3A_171 = arith.addi %mul3A_2, %add3A_170 : i32
    %dma_wait3A_172 = arith.constant 1 : i32
    %dma_wait3A_173 = arith.constant 1 : i32
    %dma_wait3A_174 = arith.constant 0 : i32
    %dma_wait3A_175 = arith.constant 0 : i32
    %dma_wait3A_176 = tpu.memref_slice %arg5[%dma_wait3A_172, %dma_wait3A_174, %dma_wait3A_175] : memref<2x32x1000xf32, #tpu.memory_space<vmem>> -> memref<1x32x1000xf32, #tpu.memory_space<vmem>>
    %dma_wait3A_177 = tpu.memref_squeeze %dma_wait3A_176 : memref<1x32x1000xf32, #tpu.memory_space<vmem>> -> memref<32x1000xf32, #tpu.memory_space<vmem>>
    %dma_wait3A_178 = arith.constant 0 : i32
    %dma_wait3A_179 = tpu.memref_slice %arg3[%add3A_171, %dma_wait3A_178] : memref<4096x1000xf32, #tpu.memory_space<hbm>> -> memref<32x1000xf32, #tpu.memory_space<hbm>>
    %dma_wait3A_180 = tpu.memref_slice %arg6[%dma_wait3A_173] : memref<2x!tpu.dma_semaphore, #tpu.memory_space<semaphore_mem>> -> memref<1x!tpu.dma_semaphore, #tpu.memory_space<semaphore_mem>>
    %dma_wait3A_181 = tpu.memref_squeeze %dma_wait3A_180 : memref<1x!tpu.dma_semaphore, #tpu.memory_space<semaphore_mem>> -> memref<!tpu.dma_semaphore, #tpu.memory_space<semaphore_mem>>
    %dma_wait3A_182 = arith.constant 0 : i32
    %dma_wait3A_183 = tpu.memref_slice %arg3[%add3A_171, %dma_wait3A_182] : memref<4096x1000xf32, #tpu.memory_space<hbm>> -> memref<32x1000xf32, #tpu.memory_space<hbm>>
    %dma_wait3A_184 = arith.constant 0 : i32
    %dma_wait3A_185 = arith.constant 0 : i32
    %dma_wait3A_186 = tpu.memref_slice %arg5[%dma_wait3A_172, %dma_wait3A_184, %dma_wait3A_185] : memref<2x32x1000xf32, #tpu.memory_space<vmem>> -> memref<1x32x1000xf32, #tpu.memory_space<vmem>>
    %dma_wait3A_187 = tpu.memref_squeeze %dma_wait3A_186 : memref<1x32x1000xf32, #tpu.memory_space<vmem>> -> memref<32x1000xf32, #tpu.memory_space<vmem>>
    tpu.wait_dma2 semaphore(%dma_wait3A_181 : memref<!tpu.dma_semaphore, #tpu.memory_space<semaphore_mem>>) src(%dma_wait3A_187 : memref<32x1000xf32, #tpu.memory_space<vmem>>) dst(%dma_wait3A_183 : memref<32x1000xf32, #tpu.memory_space<hbm>>)
    %broadcast_in_dim3A_188 = arith.constant 0 : i32
    %broadcast_in_dim3A_189 = vector.broadcast %broadcast_in_dim3A_188 : i32 to vector<16xi32>
    %add3A_190 = arith.addi %broadcast_in_dim3A_189, %iota3A : vector<16xi32>
    %get3A_191 = arith.constant 32 : index
    %get3A_192 = tpu.vector_load %arg4[%get3A_191] {strides = array<i32>} : memref<128xi32, #tpu.memory_space<vmem>>, vector<16xi32>,
    %scatter3A_193 = arith.constant 1 : i32
    %scatter3A_194 = arith.constant 0 : i32
    %scatter3A_195 = arith.constant 0 : i32
    %scatter3A_196 = tpu.memref_slice %arg5[%scatter3A_193, %scatter3A_194, %scatter3A_195] : memref<2x32x1000xf32, #tpu.memory_space<vmem>> -> memref<1x32x1000xf32, #tpu.memory_space<vmem>>
    %scatter3A_197 = tpu.memref_squeeze %scatter3A_196 : memref<1x32x1000xf32, #tpu.memory_space<vmem>> -> memref<32x1000xf32, #tpu.memory_space<vmem>>
    tpu.vector_store_idx %scatter3A_197[%add3A_190, %get3A_192], %broadcast_in_dim3A_5 : memref<32x1000xf32, #tpu.memory_space<vmem>>[vector<16xi32>, vector<16xi32>], vector<16xf32>,
    %broadcast_in_dim3A_198 = arith.constant 16 : i32
    %broadcast_in_dim3A_199 = vector.broadcast %broadcast_in_dim3A_198 : i32 to vector<16xi32>
    %add3A_200 = arith.addi %broadcast_in_dim3A_199, %iota3A : vector<16xi32>
    %get3A_201 = arith.constant 48 : index
    %get3A_202 = tpu.vector_load %arg4[%get3A_201] {strides = array<i32>} : memref<128xi32, #tpu.memory_space<vmem>>, vector<16xi32>,
    %scatter3A_203 = arith.constant 1 : i32
    %scatter3A_204 = arith.constant 0 : i32
    %scatter3A_205 = arith.constant 0 : i32
    %scatter3A_206 = tpu.memref_slice %arg5[%scatter3A_203, %scatter3A_204, %scatter3A_205] : memref<2x32x1000xf32, #tpu.memory_space<vmem>> -> memref<1x32x1000xf32, #tpu.memory_space<vmem>>
    %scatter3A_207 = tpu.memref_squeeze %scatter3A_206 : memref<1x32x1000xf32, #tpu.memory_space<vmem>> -> memref<32x1000xf32, #tpu.memory_space<vmem>>
    tpu.vector_store_idx %scatter3A_207[%add3A_200, %get3A_202], %broadcast_in_dim3A_5 : memref<32x1000xf32, #tpu.memory_space<vmem>>[vector<16xi32>, vector<16xi32>], vector<16xf32>,
    %broadcast_in_dim3A_208 = arith.constant 0 : i32
    %broadcast_in_dim3A_209 = vector.broadcast %broadcast_in_dim3A_208 : i32 to vector<16xi32>
    %add3A_210 = arith.addi %broadcast_in_dim3A_209, %iota3A : vector<16xi32>
    %get3A_211 = arith.constant 96 : index
    %get3A_212 = tpu.vector_load %arg4[%get3A_211] {strides = array<i32>} : memref<128xi32, #tpu.memory_space<vmem>>, vector<16xi32>,
    %scatter3A_213 = arith.constant 1 : i32
    %scatter3A_214 = arith.constant 0 : i32
    %scatter3A_215 = arith.constant 0 : i32
    %scatter3A_216 = tpu.memref_slice %arg5[%scatter3A_213, %scatter3A_214, %scatter3A_215] : memref<2x32x1000xf32, #tpu.memory_space<vmem>> -> memref<1x32x1000xf32, #tpu.memory_space<vmem>>
    %scatter3A_217 = tpu.memref_squeeze %scatter3A_216 : memref<1x32x1000xf32, #tpu.memory_space<vmem>> -> memref<32x1000xf32, #tpu.memory_space<vmem>>
    tpu.vector_store_idx %scatter3A_217[%add3A_210, %get3A_212], %broadcast_in_dim3A_3 : memref<32x1000xf32, #tpu.memory_space<vmem>>[vector<16xi32>, vector<16xi32>], vector<16xf32>,
    %broadcast_in_dim3A_218 = arith.constant 16 : i32
    %broadcast_in_dim3A_219 = vector.broadcast %broadcast_in_dim3A_218 : i32 to vector<16xi32>
    %add3A_220 = arith.addi %broadcast_in_dim3A_219, %iota3A : vector<16xi32>
    %get3A_221 = arith.constant 112 : index
    %get3A_222 = tpu.vector_load %arg4[%get3A_221] {strides = array<i32>} : memref<128xi32, #tpu.memory_space<vmem>>, vector<16xi32>,
    %scatter3A_223 = arith.constant 1 : i32
    %scatter3A_224 = arith.constant 0 : i32
    %scatter3A_225 = arith.constant 0 : i32
    %scatter3A_226 = tpu.memref_slice %arg5[%scatter3A_223, %scatter3A_224, %scatter3A_225] : memref<2x32x1000xf32, #tpu.memory_space<vmem>> -> memref<1x32x1000xf32, #tpu.memory_space<vmem>>
    %scatter3A_227 = tpu.memref_squeeze %scatter3A_226 : memref<1x32x1000xf32, #tpu.memory_space<vmem>> -> memref<32x1000xf32, #tpu.memory_space<vmem>>
    tpu.vector_store_idx %scatter3A_227[%add3A_220, %get3A_222], %broadcast_in_dim3A_3 : memref<32x1000xf32, #tpu.memory_space<vmem>>[vector<16xi32>, vector<16xi32>], vector<16xf32>,
    %add3A_228 = arith.constant 96 : i32
    %add3A_229 = arith.addi %mul3A_2, %add3A_228 : i32
    %dma_start3A_230 = arith.constant 1 : i32
    %dma_start3A_231 = arith.constant 1 : i32
    %dma_start3A_232 = arith.constant 0 : i32
    %dma_start3A_233 = arith.constant 0 : i32
    %dma_start3A_234 = tpu.memref_slice %arg5[%dma_start3A_230, %dma_start3A_232, %dma_start3A_233] : memref<2x32x1000xf32, #tpu.memory_space<vmem>> -> memref<1x32x1000xf32, #tpu.memory_space<vmem>>
    %dma_start3A_235 = tpu.memref_squeeze %dma_start3A_234 : memref<1x32x1000xf32, #tpu.memory_space<vmem>> -> memref<32x1000xf32, #tpu.memory_space<vmem>>
    %dma_start3A_236 = arith.constant 0 : i32
    %dma_start3A_237 = tpu.memref_slice %arg3[%add3A_229, %dma_start3A_236] : memref<4096x1000xf32, #tpu.memory_space<hbm>> -> memref<32x1000xf32, #tpu.memory_space<hbm>>
    %dma_start3A_238 = tpu.memref_slice %arg6[%dma_start3A_231] : memref<2x!tpu.dma_semaphore, #tpu.memory_space<semaphore_mem>> -> memref<1x!tpu.dma_semaphore, #tpu.memory_space<semaphore_mem>>
    %dma_start3A_239 = tpu.memref_squeeze %dma_start3A_238 : memref<1x!tpu.dma_semaphore, #tpu.memory_space<semaphore_mem>> -> memref<!tpu.dma_semaphore, #tpu.memory_space<semaphore_mem>>
    %dma_start3A_240 = arith.constant 0 : i32
    %dma_start3A_241 = tpu.memref_slice %arg3[%add3A_229, %dma_start3A_240] : memref<4096x1000xf32, #tpu.memory_space<hbm>> -> memref<32x1000xf32, #tpu.memory_space<hbm>>
    %dma_start3A_242 = arith.constant 0 : i32
    %dma_start3A_243 = arith.constant 0 : i32
    %dma_start3A_244 = tpu.memref_slice %arg5[%dma_start3A_230, %dma_start3A_242, %dma_start3A_243] : memref<2x32x1000xf32, #tpu.memory_space<vmem>> -> memref<1x32x1000xf32, #tpu.memory_space<vmem>>
    %dma_start3A_245 = tpu.memref_squeeze %dma_start3A_244 : memref<1x32x1000xf32, #tpu.memory_space<vmem>> -> memref<32x1000xf32, #tpu.memory_space<vmem>>
    tpu.enqueue_dma source(%dma_start3A_245 : memref<32x1000xf32, #tpu.memory_space<vmem>>) target(%dma_start3A_241 : memref<32x1000xf32, #tpu.memory_space<hbm>>) target_semaphore(%dma_start3A_239 : memref<!tpu.dma_semaphore, #tpu.memory_space<semaphore_mem>>)
    %add3A_246 = arith.constant 64 : i32
    %add3A_247 = arith.addi %mul3A_2, %add3A_246 : i32
    %dma_wait3A_248 = arith.constant 0 : i32
    %dma_wait3A_249 = arith.constant 0 : i32
    %dma_wait3A_250 = arith.constant 0 : i32
    %dma_wait3A_251 = arith.constant 0 : i32
    %dma_wait3A_252 = tpu.memref_slice %arg5[%dma_wait3A_248, %dma_wait3A_250, %dma_wait3A_251] : memref<2x32x1000xf32, #tpu.memory_space<vmem>> -> memref<1x32x1000xf32, #tpu.memory_space<vmem>>
    %dma_wait3A_253 = tpu.memref_squeeze %dma_wait3A_252 : memref<1x32x1000xf32, #tpu.memory_space<vmem>> -> memref<32x1000xf32, #tpu.memory_space<vmem>>
    %dma_wait3A_254 = arith.constant 0 : i32
    %dma_wait3A_255 = tpu.memref_slice %arg3[%add3A_247, %dma_wait3A_254] : memref<4096x1000xf32, #tpu.memory_space<hbm>> -> memref<32x1000xf32, #tpu.memory_space<hbm>>
    %dma_wait3A_256 = tpu.memref_slice %arg6[%dma_wait3A_249] : memref<2x!tpu.dma_semaphore, #tpu.memory_space<semaphore_mem>> -> memref<1x!tpu.dma_semaphore, #tpu.memory_space<semaphore_mem>>
    %dma_wait3A_257 = tpu.memref_squeeze %dma_wait3A_256 : memref<1x!tpu.dma_semaphore, #tpu.memory_space<semaphore_mem>> -> memref<!tpu.dma_semaphore, #tpu.memory_space<semaphore_mem>>
    %dma_wait3A_258 = arith.constant 0 : i32
    %dma_wait3A_259 = tpu.memref_slice %arg3[%add3A_247, %dma_wait3A_258] : memref<4096x1000xf32, #tpu.memory_space<hbm>> -> memref<32x1000xf32, #tpu.memory_space<hbm>>
    %dma_wait3A_260 = arith.constant 0 : i32
    %dma_wait3A_261 = arith.constant 0 : i32
    %dma_wait3A_262 = tpu.memref_slice %arg5[%dma_wait3A_248, %dma_wait3A_260, %dma_wait3A_261] : memref<2x32x1000xf32, #tpu.memory_space<vmem>> -> memref<1x32x1000xf32, #tpu.memory_space<vmem>>
    %dma_wait3A_263 = tpu.memref_squeeze %dma_wait3A_262 : memref<1x32x1000xf32, #tpu.memory_space<vmem>> -> memref<32x1000xf32, #tpu.memory_space<vmem>>
    tpu.wait_dma2 semaphore(%dma_wait3A_257 : memref<!tpu.dma_semaphore, #tpu.memory_space<semaphore_mem>>) src(%dma_wait3A_263 : memref<32x1000xf32, #tpu.memory_space<vmem>>) dst(%dma_wait3A_259 : memref<32x1000xf32, #tpu.memory_space<hbm>>)
    %add3A_264 = arith.constant 96 : i32
    %add3A_265 = arith.addi %mul3A_2, %add3A_264 : i32
    %dma_wait3A_266 = arith.constant 1 : i32
    %dma_wait3A_267 = arith.constant 1 : i32
    %dma_wait3A_268 = arith.constant 0 : i32
    %dma_wait3A_269 = arith.constant 0 : i32
    %dma_wait3A_270 = tpu.memref_slice %arg5[%dma_wait3A_266, %dma_wait3A_268, %dma_wait3A_269] : memref<2x32x1000xf32, #tpu.memory_space<vmem>> -> memref<1x32x1000xf32, #tpu.memory_space<vmem>>
    %dma_wait3A_271 = tpu.memref_squeeze %dma_wait3A_270 : memref<1x32x1000xf32, #tpu.memory_space<vmem>> -> memref<32x1000xf32, #tpu.memory_space<vmem>>
    %dma_wait3A_272 = arith.constant 0 : i32
    %dma_wait3A_273 = tpu.memref_slice %arg3[%add3A_265, %dma_wait3A_272] : memref<4096x1000xf32, #tpu.memory_space<hbm>> -> memref<32x1000xf32, #tpu.memory_space<hbm>>
    %dma_wait3A_274 = tpu.memref_slice %arg6[%dma_wait3A_267] : memref<2x!tpu.dma_semaphore, #tpu.memory_space<semaphore_mem>> -> memref<1x!tpu.dma_semaphore, #tpu.memory_space<semaphore_mem>>
    %dma_wait3A_275 = tpu.memref_squeeze %dma_wait3A_274 : memref<1x!tpu.dma_semaphore, #tpu.memory_space<semaphore_mem>> -> memref<!tpu.dma_semaphore, #tpu.memory_space<semaphore_mem>>
    %dma_wait3A_276 = arith.constant 0 : i32
    %dma_wait3A_277 = tpu.memref_slice %arg3[%add3A_265, %dma_wait3A_276] : memref<4096x1000xf32, #tpu.memory_space<hbm>> -> memref<32x1000xf32, #tpu.memory_space<hbm>>
    %dma_wait3A_278 = arith.constant 0 : i32
    %dma_wait3A_279 = arith.constant 0 : i32
    %dma_wait3A_280 = tpu.memref_slice %arg5[%dma_wait3A_266, %dma_wait3A_278, %dma_wait3A_279] : memref<2x32x1000xf32, #tpu.memory_space<vmem>> -> memref<1x32x1000xf32, #tpu.memory_space<vmem>>
    %dma_wait3A_281 = tpu.memref_squeeze %dma_wait3A_280 : memref<1x32x1000xf32, #tpu.memory_space<vmem>> -> memref<32x1000xf32, #tpu.memory_space<vmem>>
    tpu.wait_dma2 semaphore(%dma_wait3A_275 : memref<!tpu.dma_semaphore, #tpu.memory_space<semaphore_mem>>) src(%dma_wait3A_281 : memref<32x1000xf32, #tpu.memory_space<vmem>>) dst(%dma_wait3A_277 : memref<32x1000xf32, #tpu.memory_space<hbm>>)
    return
  }
}

module attributes {stable_mosaic.version = 14 : i64} {
  func.func @_tc_onehot(%arg0: i32, %arg1: memref<1x1x1024xi32, #tpu.memory_space<vmem>>, %arg2: memref<1024x1000xf32, #tpu.memory_space<vmem>>) attributes {dimension_semantics = [#tpu.dimension_semantics<arbitrary>], iteration_bounds = array<i64: 12>, scalar_prefetch = 0 : i64, scratch_operands = 0 : i64, tpu.core_type = #tpu.core_type<tc>, window_params = [{transform_indices = @transform_0, window_bounds = array<i64: 1, 1, 1024>}, {transform_indices = @transform_1, window_bounds = array<i64: 1024, 1000>}]} {
    %get3A = arith.constant 0 : index
    %get3A_0 = arith.constant 0 : index
    %get3A_1 = arith.constant 0 : index
    %get3A_2 = vector.load %arg1[%get3A, %get3A_0, %get3A_1] : memref<1x1x1024xi32, #tpu.memory_space<vmem>>, vector<1x1x1024xi32>
    %get3A_3 = vector.shape_cast %get3A_2 : vector<1x1x1024xi32> to vector<1024xi32>
    %reshape3A = vector.shape_cast %get3A_3 : vector<1024xi32> to vector<1024x1xi32>
    %iota3A = tpu.iota {dimensions = array<i32: 1>} : vector<1024x1000xi32>
    %eq3A = vector.broadcast %reshape3A : vector<1024x1xi32> to vector<1024x1000xi32>
    %eq3A_4 = arith.cmpi eq, %iota3A, %eq3A : vector<1024x1000xi32>
    %convert_element_type3A = arith.extui %eq3A_4 : vector<1024x1000xi1> to vector<1024x1000xi32>
    %convert_element_type3A_5 = arith.sitofp %convert_element_type3A : vector<1024x1000xi32> to vector<1024x1000xf32>
    %swap3A = arith.constant 0 : index
    %swap3A_6 = arith.constant 0 : index
    %swap3A_7 = vector.load %arg2[%swap3A, %swap3A_6] : memref<1024x1000xf32, #tpu.memory_space<vmem>>, vector<1024x1000xf32>
    tpu.vector_store %arg2[%swap3A, %swap3A_6], %convert_element_type3A_5 {strides = array<i32>} : memref<1024x1000xf32, #tpu.memory_space<vmem>>, vector<1024x1000xf32>,
    return
  }
  func.func @transform_0(%arg0: i32) -> (i32, i32, i32) {
    %c0_i32 = arith.constant 0 : i32
    %c0_i32_0 = arith.constant 0 : i32
    %c0_i32_1 = arith.constant 0 : i32
    return %arg0, %c0_i32, %c0_i32_0 : i32, i32, i32
  }
  func.func @transform_1(%arg0: i32) -> (i32, i32) {
    %c0_i32 = arith.constant 0 : i32
    %c0_i32_0 = arith.constant 0 : i32
    return %arg0, %c0_i32 : i32, i32
  }
}

</mosaic_0001>

<sc_bundles>
// kernel: kernel.4.cloned.1.call-start
scs
__scs_entry_jumppad:
0x0: {  	(pc) =	sbr.rel $0x88, $3  }
0x1: {  	(tag) =	ssettag $0x0;
	lr =	simm.s32 $0x1  }
0x2: {  	[smem:$0x3FA0] =	sst lr;
	_ =	strace $0xD0000000  }
0x3: {  	_ = 	snop  }
0x4: {  	_ = 	snop  }
0x5: {  	_ = 	snop  }
0x6: {  	_ = 	snop  }
0x7: {  	_ = 	snop  }
__scs_overlays_trampoline_lowered:
0x8: {  	[smem:$0x3FAF] =	sst s0  }
0x9: {  	[smem:$0x3FB0] =	sst s1  }
0xa: {  	[smem:$0x3FB1] =	sst s2  }
0xb: {  	[smem:$0x3FB2] =	sst s3  }
0xc: {  	[smem:$0x3FB3] =	sst s4  }
0xd: {  	[smem:$0x3FB4] =	sst s5  }
0xe: {  	[smem:$0x3FB5] =	sst s6  }
0xf: {  	[smem:$0x3FB6] =	sst s7  }
0x10: {  	[smem:$0x3FB7] =	sst s8  }
0x11: {  	[smem:$0x3FB8] =	sst s9;
	s0 =	simm.s32 @!p0 $0x0  }
0x12: {  	s1 =	sld [smem:$0x3F9E];
	s0 =	simm.s32 @p0 $0x1  }
0x13: {  	[smem:$0x3FB9] =	sst s0;
	s0 =	simm.s32 @!p1 $0x0  }
0x14: {  	s2 =	sld [smem:$0x3F9D];
	s0 =	simm.s32 @p1 $0x1  }
0x15: {  	[smem:$0x3FBA] =	sst s0;
	s0 =	simm.s32 @!p2 $0x0  }
0x16: {  	s3 =	sld [smem:$0x3FDB];
	s0 =	simm.s32 @p2 $0x1  }
0x17: {  	s4 =	simm.s32 $0x1BF5;
	[smem:$0x3FBC] =	sst s0  }
0x18: {  	s0 =	sld [smem:$0x3F9F];
	_ =	swait.ge [sflag:s4], $0x0  }
0x19: {  	s7 =	sld [smem:$0x3FA0]  }
0x1a: {  	s8 =	sadd.s32 $0xFFFFE003, lr  }
0x1b: {  	s9 =	sadd.s32 $0xFFFFFEF7, lr;
	s5 =	simm.s32 $0xFFFFFFFF;
	p2 =	slt.u32 s8, $0xFFFFF086  }
0x1c: {  	p1 =	slt.u32 s9, $0xF7A;
	s5 =	simm.s32 @!p2 $0x0  }
0x1d: {  	s5 =	simm.s32 @p1 $0x1;
	p0 =	seq.s32 s7, s2  }
0x1e: {  	s7 =	smul.u32 @!p0 $0xF7A, s2;
	p2 =	seq.s32 @!p0 s5, $0x0  }
0x1f: {  	s9 =	smul.u32 $0xF7A, s1;
	s8 =	simm.s32 @!p0 $0x1BF5;
	p2 =	por !p2, p0  }
0x20: {  	[sflag:s8] =	ssyncset.s32 @!p0 $0xFFFFF086;
	s6 =	sadd.s32 @!p0 s3, s7;
	s7 =	simm.s32 @!p0 $0x108  }
0x21: {  	s3 =	sadd.s32 s3, s9;
	s6 =	sadd.s32 @!p0 $0x88, s6;
	s7 =	simm.s32 @p2 $0x1082  }
0x22: {  	[simem:s7], [sflag:s8] =	dma.local @!p0 [hbm:s6], $0xF7A  }
0x23: {  	s9 =	sor.u32 $0xD0000000, s2;
	s6 =	simm.s32 $0x108;
	_ =	swait.ge @!p0 [sflag:s8], $0x0  }
0x24: {  	s3 =	sadd.s32 $0x88, s3;
	s6 =	simm.s32 @!p1 $0x1082;
	[sflag:s4] =	ssyncset.s32 $0xFFFFF086  }
0x25: {  	[simem:s6], [sflag:s4] =	dma.local [hbm:s3], $0xF7A  }
0x26: {  	[smem:$0x3FA0] =	sst s1;
	(tag) =	ssettag s2;
	_ =	strace s9  }
0x27: {  	s1 =	sld [smem:$0x3FB0]  }
0x28: {  	s2 =	sld [smem:$0x3FB1]  }
0x29: {  	s4 =	sld [smem:$0x3FB3]  }
0x2a: {  	p0 =	seq.s32 s5, $0x0;
	s5 =	sld [smem:$0x3FB4]  }
0x2b: {  	s6 =	sld [smem:$0x3FB5]  }
0x2c: {  	s7 =	sld [smem:$0x3FB6]  }
0x2d: {  	s3 =	simm.s32 $0x108;
	s8 =	sld [smem:$0x3FB7]  }
0x2e: {  	s3 =	simm.s32 @!p0 $0x1082;
	s9 =	sld [smem:$0x3FB8]  }
0x2f: {  	lr =	sadd.s32 s0, s3;
	s0 =	sld [smem:$0x3FAF]  }
0x30: {  	s3 =	sld [smem:$0x3FB2]  }
0x31: {  	[smem:$0x3FBB] =	sst s10  }
0x32: {  	s10 =	sld [smem:$0x3FB9];
	_ =	sdelay $0x3  }
0x33: {  	p0 =	seq.s32 s10, $0x1;
	s10 =	sld [smem:$0x3FBB];
	_ =	sdelay $0x3  }
0x34: {  	[smem:$0x3FBB] =	sst s10  }
0x35: {  	s10 =	sld [smem:$0x3FBA];
	_ =	sdelay $0x3  }
0x36: {  	p1 =	seq.s32 s10, $0x1;
	s10 =	sld [smem:$0x3FBB];
	_ =	sdelay $0x3  }
0x37: {  	[smem:$0x3FBB] =	sst s10  }
0x38: {  	s10 =	sld [smem:$0x3FBC]  }
0x39: {  	_ = 	snop;
	(pc) =	sbr.ind lr, $3  }
0x3a: {  	_ = 	snop  }
0x3b: {  	_ = 	snop  }
0x3c: {  	p2 =	seq.s32 s10, $0x1;
	s10 =	sld [smem:$0x3FBB]  }
0x3d: {  	_ =	shalt  }
0x3e: {  	_ =	shalt  }
0x3f: {  	_ =	shalt  }
0x40: {  	_ =	shalt  }
0x41: {  	_ =	shalt  }
0x42: {  	_ =	shalt  }
0x43: {  	_ =	shalt  }
0x44: {  	_ =	shalt  }
0x45: {  	_ =	shalt  }
0x46: {  	_ =	shalt  }
0x47: {  	_ =	shalt  }
0x48: {  	_ =	shalt  }
0x49: {  	_ =	shalt  }
0x4a: {  	_ =	shalt  }
0x4b: {  	_ =	shalt  }
0x4c: {  	_ =	shalt  }
0x4d: {  	_ =	shalt  }
0x4e: {  	_ =	shalt  }
0x4f: {  	_ =	shalt  }
0x50: {  	_ =	shalt  }
0x51: {  	_ =	shalt  }
0x52: {  	_ =	shalt  }
0x53: {  	_ =	shalt  }
0x54: {  	_ =	shalt  }
0x55: {  	_ =	shalt  }
0x56: {  	_ =	shalt  }
0x57: {  	_ =	shalt  }
0x58: {  	_ =	shalt  }
0x59: {  	_ =	shalt  }
0x5a: {  	_ =	shalt  }
0x5b: {  	_ =	shalt  }
0x5c: {  	_ =	shalt  }
0x5d: {  	_ =	shalt  }
0x5e: {  	_ =	shalt  }
0x5f: {  	_ =	shalt  }
0x60: {  	_ =	shalt  }
0x61: {  	_ =	shalt  }
0x62: {  	_ =	shalt  }
0x63: {  	_ =	shalt  }
0x64: {  	_ =	shalt  }
0x65: {  	_ =	shalt  }
0x66: {  	_ =	shalt  }
0x67: {  	_ =	shalt  }
0x68: {  	_ =	shalt  }
0x69: {  	_ =	shalt  }
0x6a: {  	_ =	shalt  }
0x6b: {  	_ =	shalt  }
0x6c: {  	_ =	shalt  }
0x6d: {  	_ =	shalt  }
0x6e: {  	_ =	shalt  }
0x6f: {  	_ =	shalt  }
0x70: {  	_ =	shalt  }
0x71: {  	_ =	shalt  }
0x72: {  	_ =	shalt  }
0x73: {  	_ =	shalt  }
0x74: {  	_ =	shalt  }
0x75: {  	_ =	shalt  }
0x76: {  	_ =	shalt  }
0x77: {  	_ =	shalt  }
0x78: {  	_ =	shalt  }
0x79: {  	_ =	shalt  }
0x7a: {  	_ =	shalt  }
0x7b: {  	_ =	shalt  }
0x7c: {  	_ =	shalt  }
0x7d: {  	_ =	shalt  }
0x7e: {  	_ =	shalt  }
0x7f: {  	_ =	shalt  }
0x80: {  	_ =	shalt  }
0x81: {  	_ =	shalt  }
0x82: {  	_ =	shalt  }
0x83: {  	_ =	shalt  }
0x84: {  	_ =	shalt  }
0x85: {  	_ =	shalt  }
0x86: {  	_ =	shalt  }
0x87: {  	_ =	shalt  }
.Lfunc_end0:
.L_simem_size_0:
called_computation.1_lowered:
.L_overlay_start_0:
0x88: {  	s2 =	sld [smem:$0x3FD9]  }
0x89: {  	s3 =	sld [smem:$0x3FFE];
	_ =	sdelay $0x1  }
0x8a: {  	s1 =	srdreg.scid  }
0x8b: {  	s0 =	sand.u32 $0x1, s1  }
0x8c: {  	s16 =	sshll.u32 s0, $0xA;
	s2 =	sadd.s32 s3, s2  }
0x8d: {  	s2 =	sadd.s32 s2, s16  }
0x8e: {  	[smem:$0x3FC7] =	sst s2  }
0x8f: {  	_ = 	snop  }
0x90: {  	(tm) =	ssettm $0x1  }
0x91: {  	s17 =	sld [smem:$0x3FFB];
	_ =	sdelay $0x3  }
0x92: {  	_ =	strace s17  }
0x93: {  	s2 =	sld [smem:$0x3FFC];
	_ =	sdelay $0x3  }
0x94: {  	_ =	strace s2  }
0x95: {  	s2 =	sld [smem:$0x3FFD];
	_ =	sdelay $0x3  }
0x96: {  	_ =	strace s2  }
0x97: {  	_ =	strace $0x8FFFFFFF  }
0x98: {  	s18 =	sld [smem:$0x3FDB];
	_ =	sdelay $0x1  }
0x99: {  	s19 =	simm.s32 $_scs_section_size  }
0x9a: {  	s4 =	simm.s32 $_size__tile_overlayer_lowered;
	s5 =	simm.s32 $_tile_overlayer_lowered  }
0x9b: {  	s22 =	simm.s32 $0x1BFF;
	s21 =	sshll.u32 s5, $0x1;
	s2 =	sadd.s32 s19, s18  }
0x9c: {  	s6 =	simm.s32 $0x0;
	s20 =	sshll.u32 s4, $0x1;
	s4 =	sadd.s32 s21, s2  }
0x9d: {  	[timem:s6], [sflag:s22] =	dma.local [hbm:s4], s20  }
0x9e: {  	_ =	swait.ge [sflag:s22], s20  }
0x9f: {  	s3 =	ssub.s32 $0x0, s20;
	[sflag:s22] =	ssyncset.done $0x0  }
0xa0: {  	[sflag:s22] =	ssyncadd.s32 s3;
	_ =	sdelay $0x1  }
0xa1: {  	s23 =	simm.s32 $0x1B8B  }
0xa2: {  	_ =	swait.ge [sflag:s23], $0x1  }
0xa3: {  	[sflag:s23] =	ssyncset.done $0x0  }
0xa4: {  	s25 =	simm.s32 $0x1B8E;
	s24 =	sld [smem:$0x3FFE];
	[sflag:s23] =	ssyncadd.s32 $0xFFFFFFFF  }
0xa5: {  	s26 =	simm.s32 $execute0_lowered;
	[smem:$0x3FD2] =	sst s25  }
0xa6: {  	s4 =	sshll.u32 s26, $0x1;
	_ =	strace $0x80000046;
	[dreg:$0x1] =	wrdreg $0xFFFFFFFF  }
0xa7: {  	s28 =	simm.s32 $_size_execute0_lowered;
	s2 =	sadd.s32 s2, s4;
	[dreg:$0x0] =	wrdreg $0x0  }
0xa8: {  	s4 =	sshll.u32 s28, $0x1;
	[dreg:$0x2] =	wrdreg s2  }
0xa9: {  	[dreg:$0x3] =	wrdreg s4  }
0xaa: {  	[dreg:$0x4] =	wrdreg $0xC0  }
0xab: {  	_ =	task [dreg:s6], $0x5FFFF  }
0xac: {  	[dreg:$0x1] =	wrdreg $0xFFFFFFFF  }
0xad: {  	[dreg:$0x0] =	wrdreg $0x60  }
0xae: {  	[dreg:$0x2] =	wrdreg s24  }
0xaf: {  	[dreg:$0x3] =	wrdreg $0x9  }
0xb0: {  	_ =	task.clear_ibuf [dreg:s6], $0x4FFFF;
	_ =	strace $0x90000046  }
0xb1: {  	s29 =	simm.s32 $0x9;
	_ =	strace $0x80000048  }
0xb2: {  	_ =	swait.ge [sflag:s29], $0x1  }
0xb3: {  	[sflag:s29] =	ssyncadd.s32 $0xFFFFFFFF  }
0xb4: {  	_ =	strace $0x90000048  }
0xb5: {  	_ =	sfence  }
0xb6: {  	s30 =	sld [smem:$0x0];
	_ =	sdelay $0x2  }
0xb7: {  	s31 =	sshll.u32 s1, $0xD;
	s1 =	sshrl.u32 s1, $0x2  }
0xb8: {  	s3 =	sand.u32 $0x4000, s31;
	s1 =	sadd.s32 s1, s30  }
0xb9: {  	s0 =	sor.u32 s3, s0;
	s1 =	sshll.u32 s1, $0x11  }
0xba: {  	s0 =	sor.u32 s1, s0  }
0xbb: {  	s0 =	sadd.s32 $0x8F2B, s0  }
0xbc: {  	[sflag:s0] =	ssyncadd.remote.s32 $0x1  }
0xbd: {  	_ =	sfence.sel $0xFFFF  }
0xbe: {  	[dreg:$0x0] =	wrdreg $0xFFFFFFFF;
	(pc) =	sbr.abs _section_cstart, $3  }
0xbf: {  	[dreg:$0x1] =	wrdreg $0xFFFFFFFF  }
0xc0: {  	_ =	task.clear_ibuf [dreg:s6], $0x2FFFF;
	_ =	strace $0x9FFFFFFF  }
0xc1: {  	(tm) =	ssettm $0x7FFFFFFF  }
tec
execute0_lowered:
.L_overlay_start_1:
0x0: {  	(tag) =	ssettag $0x1  }
0x1: {  	v0 =	vimm.s32 $0x1C60  }
0x2: {  	vm0 =	vcmask $0x704;
	vm1 =	vcmask $0xB08;
	vm2 =	vcmask $0xF0C  }
0x3: {  	vm3 =	vcmask $0x1310;
	vm4 =	vcmask $0x1714;
	vm5 =	vcmask $0x1B18  }
0x4: {  	v2 =	vimm.s32 $0x2380;
	vm6 =	vcmask $0x300;
	v3 =	vimm.s32 $0x6380  }
0x5: {  	v4 =	vimm.s32 $0x76543210;
	vm8 =	vcmask $0x1F1C;
	vm9 =	vcmask $0x2320  }
0x6: {  	vm10 =	vcmask $0x2724;
	vm11 =	vcmask $0x2B28;
	vm12 =	vcmask $0x2F2C  }
0x7: {  	vm13 =	vcmask $0x3330;
	v2 =	vsel vm6, $0x0, v2;
	v3 =	vsel vm6, $0x4000, v3  }
0x8: {  	vm14 =	vcmask $0x3734;
	v2 =	vsel vm0, $0x80, v2;
	v3 =	vsel vm0, $0x4080, v3  }
0x9: {  	vm15 =	vcmask $0x3B38;
	v2 =	vsel vm1, $0x100, v2;
	v3 =	vsel vm1, $0x4100, v3  }
0xa: {  	v0 =	vsel vm0, $0x1C61, v0;
	v2 =	vsel vm2, $0x180, v2;
	v3 =	vsel vm2, $0x4180, v3  }
0xb: {  	s3 =	rddreg [dreg:$0x0];
	v4 =	vunpack.c.l.s4.s8 v4;
	v2 =	vsel vm3, $0x200, v2;
	v3 =	vsel vm3, $0x4200, v3  }
0xc: {  	s0 =	rddreg [dreg:$0x1];
	s4 =	srdreg.scid;
	v0 =	vsel vm1, $0x1C62, v0;
	v2 =	vsel vm4, $0x280, v2;
	v3 =	vsel vm4, $0x4280, v3  }
0xd: {  	s2 =	simm.s32 $0x0;
	s1 =	stileid.u32;
	s10 =	simm.s32 $0x80;
	v0 =	vsel vm2, $0x1C63, v0;
	v2 =	vsel vm5, $0x300, v2;
	v3 =	vsel vm5, $0x4300, v3  }
0xe: {  	s11 =	simm.s32 $0x8080;
	s12 =	simm.s32 $0x1;
	s4 =	sand.u32 $0x1, s4;
	v4 =	vunpack.c.0.s8.s32 v4;
	v2 =	vsel vm8, $0x380, v2;
	v3 =	vsel vm8, $0x4380, v3  }
0xf: {  	s13 =	simm.s32 $0x2;
	s5 =	sshll.u32 s1, $0x8;
	s6 =	sshll.u32 s4, $0x7;
	v1 =	vsel vm3, $0x1C64, v0;
	v2 =	vsel vm9, $0x2000, v2;
	v3 =	vsel vm9, $0x6000, v3  }
0x10: {  	s14 =	simm.s32 $0x0;
	[smem:$0x7FF] =	sst s2;
	s5 =	sor.u32 s6, s5;
	v0 =	vimm.f32 $0.0e+00;
	v2 =	vsel vm10, $0x2080, v2;
	v3 =	vsel vm10, $0x6080, v3  }
0x11: {  	_ =	strace $0x80000047;
	s4 =	ssub.s32 $0x2, s4;
	s6 =	sshrl.u32 s5, $0x3;
	v1 =	vsel vm4, $0x1C65, v1;
	v2 =	vsel vm11, $0x2100, v2;
	v3 =	vsel vm11, $0x6100, v3  }
0x12: {  	s7 =	sshrl.u32 s4, $0x1;
	s5 =	sshll.u32 s5, $0x7;
	s6 =	sadd.s32 s6, s3;
	v1 =	vsel vm5, $0x1C66, v1;
	v2 =	vsel vm12, $0x2180, v2;
	v3 =	vsel vm12, $0x6180, v3  }
0x13: {  	s9 =	ssub.s32 s4, s7;
	s8 =	sadd.s32 s5, s3;
	s3 =	sadd.s32 $0xA00, s6;
	v1 =	vsel vm8, $0x1C67, v1;
	v2 =	vsel vm13, $0x2200, v2;
	v3 =	vsel vm13, $0x6200, v3  }
0x14: {  	s4 =	sadd.s32 $0xC00, s8;
	s5 =	sadd.s32 $0x1C00, s8;
	s6 =	sadd.s32 $0x2C00, s8;
	v1 =	vcombine.low v1, v4;
	v2 =	vsel vm14, $0x2280, v2;
	v4 =	vsel vm14, $0x6280, v3  }
0x15: {  	s7 =	sadd.s32 $0x3C00, s8;
	s8 =	smax.u32 s9, $0x1;
	s9 =	simm.s32 $0x3;
	v3 =	vimm.f32 $1.000000000e+00;
	v2 =	vsel vm15, $0x2300, v2;
	v4 =	vsel vm15, $0x6300, v4  }
.LBB2_1:
0x16: {  	[tilespmem:s2], [sflag:$0x3] =	stream.linear.gather [hbm4b:s3+s2], $0x80, $0x38;
	[tilespmem:$0x10080] =	vst v63  }
0x17: {  	_ =	swait.ge [sflag:s9], $0x80  }
0x18: {  	s15 =	simm.s32 $0x0;
	s16 =	simm.s32 $0x0;
	[sflag:s9] =	ssyncset.done $0x0  }
0x19: {  	s17 =	simm.s32 $0x0;
	s18 =	simm.s32 $0x0;
	[sflag:s9] =	ssyncadd.s32 $0xFFFFFF80  }
.LBB2_2:
0x1a: {  	s19 =	sand.u32 $0x6000, s16;
	s20 =	sand.u32 $0x380, s17  }
0x1b: {  	s19 =	sor.u32 s20, s19  }
0x1c: {  	[tilespmem:s19+$0x80] =	vst v0  }
0x1d: {  	[tilespmem:s19+$0x90] =	vst v0  }
0x1e: {  	[tilespmem:s19+$0xA0] =	vst v0  }
0x1f: {  	[tilespmem:s19+$0xB0] =	vst v0  }
0x20: {  	[tilespmem:s19+$0xC0] =	vst v0  }
0x21: {  	[tilespmem:s19+$0xD0] =	vst v0  }
0x22: {  	[tilespmem:s19+$0xE0] =	vst v0  }
0x23: {  	[tilespmem:s19+$0xF0] =	vst v0  }
0x24: {  	[tilespmem:s19+$0x480] =	vst v0  }
0x25: {  	[tilespmem:s19+$0x490] =	vst v0  }
0x26: {  	[tilespmem:s19+$0x4A0] =	vst v0  }
0x27: {  	[tilespmem:s19+$0x4B0] =	vst v0  }
0x28: {  	[tilespmem:s19+$0x4C0] =	vst v0  }
0x29: {  	[tilespmem:s19+$0x4D0] =	vst v0  }
0x2a: {  	[tilespmem:s19+$0x4E0] =	vst v0  }
0x2b: {  	[tilespmem:s19+$0x4F0] =	vst v0  }
0x2c: {  	[tilespmem:s19+$0x880] =	vst v0  }
0x2d: {  	[tilespmem:s19+$0x890] =	vst v0  }
0x2e: {  	[tilespmem:s19+$0x8A0] =	vst v0  }
0x2f: {  	[tilespmem:s19+$0x8B0] =	vst v0  }
0x30: {  	[tilespmem:s19+$0x8C0] =	vst v0  }
0x31: {  	[tilespmem:s19+$0x8D0] =	vst v0  }
0x32: {  	[tilespmem:s19+$0x8E0] =	vst v0  }
0x33: {  	[tilespmem:s19+$0x8F0] =	vst v0  }
0x34: {  	[tilespmem:s19+$0xC80] =	vst v0  }
0x35: {  	[tilespmem:s19+$0xC90] =	vst v0  }
0x36: {  	[tilespmem:s19+$0xCA0] =	vst v0  }
0x37: {  	[tilespmem:s19+$0xCB0] =	vst v0  }
0x38: {  	[tilespmem:s19+$0xCC0] =	vst v0  }
0x39: {  	[tilespmem:s19+$0xCD0] =	vst v0  }
0x3a: {  	[tilespmem:s19+$0xCE0] =	vst v0  }
0x3b: {  	[tilespmem:s19+$0xCF0] =	vst v0  }
0x3c: {  	[tilespmem:s19+$0x1080] =	vst v0  }
0x3d: {  	[tilespmem:s19+$0x1090] =	vst v0  }
0x3e: {  	[tilespmem:s19+$0x10A0] =	vst v0  }
0x3f: {  	[tilespmem:s19+$0x10B0] =	vst v0  }
0x40: {  	[tilespmem:s19+$0x10C0] =	vst v0  }
0x41: {  	[tilespmem:s19+$0x10D0] =	vst v0  }
0x42: {  	[tilespmem:s19+$0x10E0] =	vst v0  }
0x43: {  	[tilespmem:s19+$0x10F0] =	vst v0  }
0x44: {  	[tilespmem:s19+$0x1480] =	vst v0  }
0x45: {  	[tilespmem:s19+$0x1490] =	vst v0  }
0x46: {  	[tilespmem:s19+$0x14A0] =	vst v0  }
0x47: {  	[tilespmem:s19+$0x14B0] =	vst v0  }
0x48: {  	[tilespmem:s19+$0x14C0] =	vst v0  }
0x49: {  	[tilespmem:s19+$0x14D0] =	vst v0  }
0x4a: {  	[tilespmem:s19+$0x14E0] =	vst v0  }
0x4b: {  	[tilespmem:s19+$0x14F0] =	vst v0  }
0x4c: {  	[tilespmem:s19+$0x1880] =	vst v0  }
0x4d: {  	[tilespmem:s19+$0x1890] =	vst v0  }
0x4e: {  	[tilespmem:s19+$0x18A0] =	vst v0  }
0x4f: {  	[tilespmem:s19+$0x18B0] =	vst v0  }
0x50: {  	s24 =	sand.u32 $0x7, s15;
	[tilespmem:s19+$0x18C0] =	vst v0  }
0x51: {  	v5 =	vmov s18;
	s20 =	sshll.u32 s24, $0x7;
	[tilespmem:s19+$0x18D0] =	vst v0  }
0x52: {  	v6 =	vshll.u32 v5, $0xA;
	v5 =	vshll.u32 v5, $0x7;
	s20 =	sadd.s32 s20, s16;
	[tilespmem:s19+$0x18E0] =	vst v0  }
0x53: {  	[tilespmem:s19+$0x18F0] =	vst v0;
	v6 =	vand.u32 $0x6000, v6;
	v5 =	vand.u32 $0x380, v5;
	s25 =	sor.u32 $0x1C00, s20  }
0x54: {  	s26 =	sor.u32 $0x1C10, s20;
	v5 =	vor.u32 v5, v6;
	[tilespmem:s25+$0x80] =	vst v0  }
0x55: {  	p0 =	sne.s32 s18, $0x1F;
	s28 =	sor.u32 $0x1C20, s20;
	v5 =	vor.u32 v1, v5;
	[tilespmem:s26+$0x80] =	vst v0  }
.Ltmp0:
0x56: {  	s29 =	sor.u32 $0x1C30, s20;
	[tilespmem:s28+$0x80] =	vst v0;
	(pc) =	sbr.rel @p0 .LBB2_2-.Ltmp0, $4  }
0x57: {  	s30 =	sor.u32 $0x1C40, s20;
	[tilespmem:s29+$0x80] =	vst v0  }
0x58: {  	s31 =	sor.u32 $0x1C50, s20;
	[tilespmem:s30+$0x80] =	vst v0  }
0x59: {  	s17 =	sadd.s32 $0x80, s17;
	[tilespmem:s31+$0x80] =	vst v0  }
0x5a: {  	s15 =	sadd.s32 $0x1, s15;
	s18 =	sadd.s32 $0x1, s18;
	s16 =	sadd.s32 $0x400, s16;
	[tilespmem:v5+s10+$0x0] =	vst.idx.msk $0xffff, v0  }
0x5b: {  	s15 =	simm.s32 $0x0  }
0x5c: {  	s16 =	sand.u32 $0x6000, s15;
	s17 =	sand.u32 $0x380, s15  }
0x5d: {  	s17 =	sor.u32 s17, s16  }
0x5e: {  	[tilespmem:s17+$0x88C0] =	vst v0  }
0x5f: {  	[tilespmem:s17+$0x84C0] =	vst v0  }
0x60: {  	[tilespmem:s17+$0x88F0] =	vst v0  }
0x61: {  	[tilespmem:s17+$0x88E0] =	vst v0  }
0x62: {  	[tilespmem:s17+$0x88D0] =	vst v0  }
0x63: {  	[tilespmem:s17+$0x88B0] =	vst v0  }
0x64: {  	[tilespmem:s17+$0x88A0] =	vst v0  }
0x65: {  	[tilespmem:s17+$0x80C0] =	vst v0  }
0x66: {  	[tilespmem:s17+$0x8890] =	vst v0  }
0x67: {  	[tilespmem:s17+$0x8880] =	vst v0  }
0x68: {  	[tilespmem:s17+$0x84F0] =	vst v0  }
0x69: {  	[tilespmem:s17+$0x84E0] =	vst v0  }
0x6a: {  	[tilespmem:s17+$0x84D0] =	vst v0  }
0x6b: {  	[tilespmem:s17+$0x84B0] =	vst v0  }
0x6c: {  	[tilespmem:s17+$0x84A0] =	vst v0  }
0x6d: {  	[tilespmem:s17+$0x8490] =	vst v0  }
0x6e: {  	[tilespmem:s17+$0x8480] =	vst v0  }
0x6f: {  	[tilespmem:s17+$0x80F0] =	vst v0  }
0x70: {  	[tilespmem:s17+$0x80E0] =	vst v0  }
0x71: {  	[tilespmem:s17+$0x8080] =	vst v0  }
0x72: {  	[tilespmem:s17+$0x8090] =	vst v0  }
0x73: {  	[tilespmem:s17+$0x80A0] =	vst v0  }
0x74: {  	s16 =	sor.u32 s16, s15;
	[tilespmem:s17+$0x80D0] =	vst v0  }
0x75: {  	[tilespmem:s17+$0x80B0] =	vst v0;
	s16 =	sor.u32 $0x8C00, s16  }
0x76: {  	[tilespmem:s16+$0xF0] =	vst v0  }
0x77: {  	[tilespmem:s16+$0xA0] =	vst v0  }
0x78: {  	[tilespmem:s16+$0xE0] =	vst v0  }
0x79: {  	[tilespmem:s16+$0x90] =	vst v0  }
0x7a: {  	[tilespmem:s16+$0xD0] =	vst v0  }
0x7b: {  	[tilespmem:s16+$0xB0] =	vst v0  }
0x7c: {  	[tilespmem:s16+$0x80] =	vst v0  }
0x7d: {  	[tilespmem:s16+$0xC0] =	vst v0  }
0x7e: {  	[tilespmem:s17+$0x98C0] =	vst v0  }
0x7f: {  	[tilespmem:s17+$0x98F0] =	vst v0  }
0x80: {  	[tilespmem:s17+$0x98E0] =	vst v0  }
0x81: {  	[tilespmem:s17+$0x94C0] =	vst v0  }
0x82: {  	[tilespmem:s17+$0x98D0] =	vst v0  }
0x83: {  	[tilespmem:s17+$0x98B0] =	vst v0  }
0x84: {  	[tilespmem:s17+$0x98A0] =	vst v0  }
0x85: {  	[tilespmem:s17+$0x9890] =	vst v0  }
0x86: {  	[tilespmem:s17+$0x90C0] =	vst v0  }
0x87: {  	[tilespmem:s17+$0x9880] =	vst v0  }
0x88: {  	[tilespmem:s17+$0x94F0] =	vst v0  }
0x89: {  	[tilespmem:s17+$0x94E0] =	vst v0  }
0x8a: {  	[tilespmem:s17+$0x94D0] =	vst v0  }
0x8b: {  	[tilespmem:s17+$0x94B0] =	vst v0  }
0x8c: {  	[tilespmem:s17+$0x94A0] =	vst v0  }
0x8d: {  	[tilespmem:s17+$0x9490] =	vst v0  }
0x8e: {  	[tilespmem:s17+$0x9480] =	vst v0  }
0x8f: {  	[tilespmem:s17+$0x90F0] =	vst v0  }
0x90: {  	[tilespmem:s17+$0x90D0] =	vst v0  }
0x91: {  	[tilespmem:s17+$0x90B0] =	vst v0  }
0x92: {  	[tilespmem:s17+$0x90A0] =	vst v0  }
0x93: {  	[tilespmem:s17+$0x9090] =	vst v0  }
0x94: {  	s31 =	sor.u32 s15, s15;
	v5 =	vmov s15;
	[tilespmem:s17+$0x9080] =	vst v0  }
0x95: {  	s18 =	sor.u32 $0x9C00, s31;
	v6 =	vshll.u32 v5, $0xA;
	v5 =	vshll.u32 v5, $0x7;
	[tilespmem:s17+$0x90E0] =	vst v0  }
0x96: {  	v6 =	vand.u32 $0x6000, v6;
	v5 =	vand.u32 $0x380, v5;
	[tilespmem:s18+$0x90] =	vst v0  }
0x97: {  	v5 =	vor.u32 v5, v6;
	[tilespmem:s18+$0xA0] =	vst v0  }
0x98: {  	v5 =	vor.u32 v1, v5;
	[tilespmem:s18+$0xD0] =	vst v0  }
0x99: {  	[tilespmem:s18+$0xB0] =	vst v0  }
0x9a: {  	s19 =	simm.s32 $0x1;
	s15 =	simm.s32 $0x80;
	s16 =	simm.s32 $0x400;
	[tilespmem:s18+$0xC0] =	vst v0  }
.LBB2_4:
0x9b: {  	s17 =	smov.u32 s19  }
0x9c: {  	s20 =	sand.u32 $0x6000, s16;
	s21 =	sand.u32 $0x380, s15;
	v6 =	vmov s19;
	[tilespmem:s18+$0x80] =	vst v0;
	s17 =	sadd.s32 $0x1, s19  }
0x9d: {  	p0 =	sne.s32 s19, $0x1F;
	s18 =	sor.u32 s21, s20;
	s20 =	sor.u32 s20, s15;
	v7 =	vshll.u32 v6, $0xA;
	v6 =	vshll.u32 v6, $0x7;
	[tilespmem:v5+s11+$0x0] =	vst.idx.msk $0xffff, v0  }
0x9e: {  	v5 =	vand.u32 $0x6000, v7;
	v6 =	vand.u32 $0x380, v6;
	[tilespmem:s18+$0x88C0] =	vst v0  }
0x9f: {  	v5 =	vor.u32 v6, v5;
	[tilespmem:s18+$0x84C0] =	vst v0  }
0xa0: {  	v5 =	vor.u32 v1, v5;
	[tilespmem:s18+$0x88F0] =	vst v0  }
0xa1: {  	[tilespmem:s18+$0x88E0] =	vst v0  }
0xa2: {  	[tilespmem:s18+$0x88D0] =	vst v0  }
0xa3: {  	[tilespmem:s18+$0x88B0] =	vst v0  }
0xa4: {  	[tilespmem:s18+$0x88A0] =	vst v0  }
0xa5: {  	[tilespmem:s18+$0x80C0] =	vst v0  }
0xa6: {  	[tilespmem:s18+$0x8890] =	vst v0  }
0xa7: {  	[tilespmem:s18+$0x8880] =	vst v0  }
0xa8: {  	[tilespmem:s18+$0x84F0] =	vst v0  }
0xa9: {  	[tilespmem:s18+$0x84E0] =	vst v0  }
0xaa: {  	[tilespmem:s18+$0x84D0] =	vst v0  }
0xab: {  	[tilespmem:s18+$0x84B0] =	vst v0  }
0xac: {  	[tilespmem:s18+$0x84A0] =	vst v0  }
0xad: {  	[tilespmem:s18+$0x8490] =	vst v0  }
0xae: {  	[tilespmem:s18+$0x8480] =	vst v0  }
0xaf: {  	[tilespmem:s18+$0x80F0] =	vst v0  }
0xb0: {  	[tilespmem:s18+$0x80E0] =	vst v0  }
0xb1: {  	[tilespmem:s18+$0x8080] =	vst v0  }
0xb2: {  	[tilespmem:s18+$0x8090] =	vst v0  }
0xb3: {  	[tilespmem:s18+$0x80A0] =	vst v0  }
0xb4: {  	[tilespmem:s18+$0x80D0] =	vst v0  }
0xb5: {  	s19 =	sor.u32 $0x8C00, s20;
	[tilespmem:s18+$0x80B0] =	vst v0  }
0xb6: {  	[tilespmem:s19+$0xF0] =	vst v0  }
0xb7: {  	[tilespmem:s19+$0xA0] =	vst v0  }
0xb8: {  	[tilespmem:s19+$0xE0] =	vst v0  }
0xb9: {  	[tilespmem:s19+$0x90] =	vst v0  }
0xba: {  	[tilespmem:s19+$0xD0] =	vst v0  }
0xbb: {  	[tilespmem:s19+$0xB0] =	vst v0  }
0xbc: {  	[tilespmem:s19+$0x80] =	vst v0  }
0xbd: {  	[tilespmem:s19+$0xC0] =	vst v0  }
0xbe: {  	[tilespmem:s18+$0x98C0] =	vst v0  }
0xbf: {  	[tilespmem:s18+$0x98F0] =	vst v0  }
0xc0: {  	[tilespmem:s18+$0x98E0] =	vst v0  }
0xc1: {  	[tilespmem:s18+$0x94C0] =	vst v0  }
0xc2: {  	[tilespmem:s18+$0x98D0] =	vst v0  }
0xc3: {  	[tilespmem:s18+$0x98B0] =	vst v0  }
0xc4: {  	[tilespmem:s18+$0x98A0] =	vst v0  }
0xc5: {  	[tilespmem:s18+$0x9890] =	vst v0  }
0xc6: {  	[tilespmem:s18+$0x90C0] =	vst v0  }
0xc7: {  	[tilespmem:s18+$0x9880] =	vst v0  }
0xc8: {  	[tilespmem:s18+$0x94F0] =	vst v0  }
0xc9: {  	[tilespmem:s18+$0x94E0] =	vst v0  }
0xca: {  	[tilespmem:s18+$0x94D0] =	vst v0  }
0xcb: {  	[tilespmem:s18+$0x94B0] =	vst v0  }
0xcc: {  	[tilespmem:s18+$0x94A0] =	vst v0  }
0xcd: {  	[tilespmem:s18+$0x9490] =	vst v0  }
0xce: {  	[tilespmem:s18+$0x9480] =	vst v0  }
0xcf: {  	[tilespmem:s18+$0x90F0] =	vst v0  }
0xd0: {  	[tilespmem:s18+$0x90D0] =	vst v0  }
0xd1: {  	[tilespmem:s18+$0x90B0] =	vst v0  }
0xd2: {  	[tilespmem:s18+$0x90A0] =	vst v0  }
0xd3: {  	[tilespmem:s18+$0x9090] =	vst v0  }
0xd4: {  	s19 =	sor.u32 s16, s15;
	[tilespmem:s18+$0x9080] =	vst v0  }
0xd5: {  	[tilespmem:s18+$0x90E0] =	vst v0;
	s18 =	sor.u32 $0x9C00, s19  }
.Ltmp1:
0xd6: {  	[tilespmem:s18+$0x90] =	vst v0;
	(pc) =	sbr.rel @p0 .LBB2_4-.Ltmp1, $4  }
0xd7: {  	[tilespmem:s18+$0xA0] =	vst v0  }
0xd8: {  	[tilespmem:s18+$0xD0] =	vst v0  }
0xd9: {  	[tilespmem:s18+$0xB0] =	vst v0  }
0xda: {  	s15 =	sadd.s32 $0x80, s15;
	s16 =	sadd.s32 $0x400, s16;
	s19 =	smov.u32 s17;
	[tilespmem:s18+$0xC0] =	vst v0  }
0xdb: {  	_ =	sdelay $0x2  }
0xdc: {  	[tilespmem:s18+$0x80] =	vst v0  }
0xdd: {  	[tilespmem:v5+s11+$0x0] =	vst.idx.msk $0xffff, v0  }
0xde: {  	v5 =	vld [tilespmem:$0x0];
	_ =	sdelay $0x4  }
0xdf: {  	v6 =	vshll.u32 v5, $0x3  }
0xe0: {  	v5 =	vand.u32 $0x7F, v5;
	v6 =	vand.u32 $0xFFFFFC00, v6  }
0xe1: {  	v5 =	vor.u32 v5, v6  }
0xe2: {  	v5 =	vadd.s32 v2, v5;
	_ =	sdelay $0x4  }
0xe3: {  	[tilespmem:v5+s10+$0x0] =	vst.idx.msk $0xffff, v3  }
0xe4: {  	v5 =	vld [tilespmem:$0x10];
	_ =	sdelay $0x4  }
0xe5: {  	v6 =	vshll.u32 v5, $0x3  }
0xe6: {  	v5 =	vand.u32 $0x7F, v5;
	v6 =	vand.u32 $0xFFFFFC00, v6  }
0xe7: {  	v5 =	vor.u32 v5, v6  }
0xe8: {  	v5 =	vadd.s32 v4, v5;
	_ =	sdelay $0x4  }
0xe9: {  	[tilespmem:v5+s10+$0x0] =	vst.idx.msk $0xffff, v3  }
0xea: {  	[hbm4b:s4+s2] =	stream.linear.scatter [tilespmem:s10], [sflag:$0x1], $0x8000, $0x38;
	[tilespmem:$0x10080] =	vst v63  }
0xeb: {  	v5 =	vld [tilespmem:$0x20];
	_ =	sdelay $0x4  }
0xec: {  	v6 =	vshll.u32 v5, $0x3  }
0xed: {  	v5 =	vand.u32 $0x7F, v5;
	v6 =	vand.u32 $0xFFFFFC00, v6  }
0xee: {  	v5 =	vor.u32 v5, v6  }
0xef: {  	v5 =	vadd.s32 v2, v5;
	_ =	sdelay $0x4  }
0xf0: {  	[tilespmem:v5+s11+$0x0] =	vst.idx.msk $0xffff, v3  }
0xf1: {  	v5 =	vld [tilespmem:$0x30];
	_ =	sdelay $0x4  }
0xf2: {  	v6 =	vshll.u32 v5, $0x3  }
0xf3: {  	v5 =	vand.u32 $0x7F, v5;
	v6 =	vand.u32 $0xFFFFFC00, v6  }
0xf4: {  	v5 =	vor.u32 v5, v6  }
0xf5: {  	v5 =	vadd.s32 v4, v5;
	_ =	sdelay $0x4  }
0xf6: {  	[tilespmem:v5+s11+$0x0] =	vst.idx.msk $0xffff, v3  }
0xf7: {  	[hbm4b:s5+s2] =	stream.linear.scatter [tilespmem:s11], [sflag:$0x2], $0x8000, $0x38;
	[tilespmem:$0x10080] =	vst v63  }
0xf8: {  	_ =	swait.ge [sflag:s12], $0x8000  }
0xf9: {  	[sflag:s12] =	ssyncset.done $0x0  }
0xfa: {  	[sflag:s12] =	ssyncadd.s32 $0xFFFF8000  }
0xfb: {  	v5 =	vld [tilespmem:$0x0];
	_ =	sdelay $0x4  }
0xfc: {  	v6 =	vshll.u32 v5, $0x3  }
0xfd: {  	v5 =	vand.u32 $0x7F, v5;
	v6 =	vand.u32 $0xFFFFFC00, v6  }
0xfe: {  	v5 =	vor.u32 v5, v6  }
0xff: {  	v5 =	vadd.s32 v2, v5;
	_ =	sdelay $0x4  }
0x100: {  	[tilespmem:v5+s10+$0x0] =	vst.idx.msk $0xffff, v0  }
0x101: {  	v5 =	vld [tilespmem:$0x10];
	_ =	sdelay $0x4  }
0x102: {  	v6 =	vshll.u32 v5, $0x3  }
0x103: {  	v5 =	vand.u32 $0x7F, v5;
	v6 =	vand.u32 $0xFFFFFC00, v6  }
0x104: {  	v5 =	vor.u32 v5, v6  }
0x105: {  	v5 =	vadd.s32 v4, v5;
	_ =	sdelay $0x4  }
0x106: {  	[tilespmem:v5+s10+$0x0] =	vst.idx.msk $0xffff, v0  }
0x107: {  	v5 =	vld [tilespmem:$0x40];
	_ =	sdelay $0x4  }
0x108: {  	v6 =	vshll.u32 v5, $0x3  }
0x109: {  	v5 =	vand.u32 $0x7F, v5;
	v6 =	vand.u32 $0xFFFFFC00, v6  }
0x10a: {  	v5 =	vor.u32 v5, v6  }
0x10b: {  	v5 =	vadd.s32 v2, v5;
	_ =	sdelay $0x4  }
0x10c: {  	[tilespmem:v5+s10+$0x0] =	vst.idx.msk $0xffff, v3  }
0x10d: {  	v5 =	vld [tilespmem:$0x50];
	_ =	sdelay $0x4  }
0x10e: {  	v6 =	vshll.u32 v5, $0x3  }
0x10f: {  	v5 =	vand.u32 $0x7F, v5;
	v6 =	vand.u32 $0xFFFFFC00, v6  }
0x110: {  	v5 =	vor.u32 v5, v6  }
0x111: {  	v5 =	vadd.s32 v4, v5;
	_ =	sdelay $0x4  }
0x112: {  	[tilespmem:v5+s10+$0x0] =	vst.idx.msk $0xffff, v3  }
0x113: {  	[hbm4b:s6+s2] =	stream.linear.scatter [tilespmem:s10], [sflag:$0x1], $0x8000, $0x38;
	[tilespmem:$0x10080] =	vst v63  }
0x114: {  	_ =	swait.ge [sflag:s13], $0x8000  }
0x115: {  	[sflag:s13] =	ssyncset.done $0x0  }
0x116: {  	[sflag:s13] =	ssyncadd.s32 $0xFFFF8000  }
0x117: {  	v5 =	vld [tilespmem:$0x20];
	_ =	sdelay $0x4  }
0x118: {  	v6 =	vshll.u32 v5, $0x3  }
0x119: {  	v5 =	vand.u32 $0x7F, v5;
	v6 =	vand.u32 $0xFFFFFC00, v6  }
0x11a: {  	v5 =	vor.u32 v5, v6  }
0x11b: {  	v5 =	vadd.s32 v2, v5;
	_ =	sdelay $0x4  }
0x11c: {  	[tilespmem:v5+s11+$0x0] =	vst.idx.msk $0xffff, v0  }
0x11d: {  	v5 =	vld [tilespmem:$0x30];
	_ =	sdelay $0x4  }
0x11e: {  	v6 =	vshll.u32 v5, $0x3  }
0x11f: {  	v5 =	vand.u32 $0x7F, v5;
	v6 =	vand.u32 $0xFFFFFC00, v6  }
0x120: {  	v5 =	vor.u32 v5, v6  }
0x121: {  	v5 =	vadd.s32 v4, v5;
	_ =	sdelay $0x4  }
0x122: {  	[tilespmem:v5+s11+$0x0] =	vst.idx.msk $0xffff, v0  }
0x123: {  	v5 =	vld [tilespmem:$0x60];
	_ =	sdelay $0x4  }
0x124: {  	v6 =	vshll.u32 v5, $0x3  }
0x125: {  	v5 =	vand.u32 $0x7F, v5;
	v6 =	vand.u32 $0xFFFFFC00, v6  }
0x126: {  	v5 =	vor.u32 v5, v6  }
0x127: {  	v5 =	vadd.s32 v2, v5;
	_ =	sdelay $0x4  }
0x128: {  	[tilespmem:v5+s11+$0x0] =	vst.idx.msk $0xffff, v3  }
0x129: {  	v5 =	vld [tilespmem:$0x70];
	_ =	sdelay $0x4  }
0x12a: {  	v6 =	vshll.u32 v5, $0x3  }
0x12b: {  	v5 =	vand.u32 $0x7F, v5;
	v6 =	vand.u32 $0xFFFFFC00, v6  }
0x12c: {  	v5 =	vor.u32 v5, v6  }
0x12d: {  	v5 =	vadd.s32 v4, v5;
	_ =	sdelay $0x4  }
0x12e: {  	s14 =	sadd.s32 $0x1, s14;
	[tilespmem:v5+s11+$0x0] =	vst.idx.msk $0xffff, v3  }
0x12f: {  	[hbm4b:s7+s2] =	stream.linear.scatter [tilespmem:s11], [sflag:$0x2], $0x8000, $0x38;
	[tilespmem:$0x10080] =	vst v63  }
0x130: {  	p0 =	sne.s32 s14, s8;
	_ =	swait.ge [sflag:s12], $0x8000  }
.Ltmp2:
0x131: {  	[sflag:s12] =	ssyncset.done $0x0;
	(pc) =	sbr.rel @p0 .LBB2_1-.Ltmp2, $4  }
0x132: {  	[sflag:s12] =	ssyncadd.s32 $0xFFFF8000  }
0x133: {  	_ =	swait.ge [sflag:s13], $0x8000  }
0x134: {  	[sflag:s13] =	ssyncset.done $0x0  }
0x135: {  	[sflag:s13] =	ssyncadd.s32 $0xFFFF8000  }
0x136: {  	_ =	sfence.sel $0x180000  }
0x137: {  	[bflag:$0x0] =	sbarrier.arrive $0xFFFF  }
0x138: {  	p0 =	sne.s32 s1, $0x0;
	_ =	strace $0x90000047  }
0x139: {  	s0 =	sadd.s32 @!p0 $0x100000, s0;
	[bflag:$0x2] =	sbarrier.arrive $0xFFFF  }
0x13a: {  	[sflag:s0] =	ssyncadd.tile.s32 @!p0 $0x1;
	_ =	shalt  }
.Lfunc_end2:
_tile_overlayer_lowered:
.L_overlay_start_2:
0x13b: {  	(tag) =	ssettag $0x2  }
0x13c: {  	s0 =	rddreg [dreg:$0x0];
	s2 =	stileid.u32  }
0x13d: {  	s1 =	rddreg [dreg:$0x1];
	p0 =	sne.s32 s2, $0x0  }
0x13e: {  	s3 =	rddreg [dreg:$0x2];
	[bflag:$0x3] =	sbarrier.arrive $0xFFFF;
	s2 =	simm.s32 @!p0 $0x1C03  }
0x13f: {  	[timem:s3], [sflag:s2] =	dma.local @!p0 [hbm:s0], s1  }
0x140: {  	s0 =	simm.s32 @!p0 $0x3  }
0x141: {  	_ =	swait.ge @!p0 [sflag:s0], s1  }
0x142: {  	s1 =	ssub.s32 @!p0 $0x0, s1;
	[sflag:s0] =	ssyncset.done @!p0 $0x0  }
0x143: {  	[sflag:s0] =	ssyncadd.s32 @!p0 s1  }
0x144: {  	[bflag:$0x3] =	sbarrier.arrive $0xFFFF  }
0x145: {  	_ =	shalt  }

// kernel: sparse-core-data-format-call.cloned.1.call-start
scs
called_computation_lowered:
.L_overlay_start_0:
0x0: {  	s2 =	sld [smem:$0x3FD9]  }
0x1: {  	s3 =	sld [smem:$0x3FFE];
	_ =	sdelay $0x1  }
0x2: {  	s1 =	srdreg.scid  }
0x3: {  	s0 =	sand.u32 $0x1, s1  }
0x4: {  	s18 =	sshll.u32 s0, $0xA;
	s2 =	sadd.s32 s3, s2  }
0x5: {  	s2 =	sadd.s32 s2, s18  }
0x6: {  	[smem:$0x3FC7] =	sst s2  }
0x7: {  	_ = 	snop  }
0x8: {  	s2 =	sld [smem:$0x3FD0];
	(tm) =	ssettm $0x1  }
0x9: {  	s19 =	sld [smem:$0x3FFB];
	_ =	sdelay $0x3  }
0xa: {  	_ =	strace s19  }
0xb: {  	s3 =	sld [smem:$0x3FFC];
	_ =	sdelay $0x3  }
0xc: {  	_ =	strace s3  }
0xd: {  	s3 =	sld [smem:$0x3FFD];
	_ =	sdelay $0x3  }
0xe: {  	_ =	strace s3  }
0xf: {  	_ =	strace $0x8FFFFFFF  }
0x10: {  	s20 =	sld [smem:$0x3FDB];
	_ =	sdelay $0x1  }
0x11: {  	s4 =	simm.s32 $_scs_section_size  }
0x12: {  	s5 =	simm.s32 $_size__tile_overlayer_lowered;
	s6 =	simm.s32 $_tile_overlayer_lowered  }
0x13: {  	s23 =	simm.s32 $0x1BFF;
	s22 =	sshll.u32 s6, $0x1;
	s3 =	sadd.s32 s4, s20  }
0x14: {  	s7 =	simm.s32 $0x0;
	s21 =	sshll.u32 s5, $0x1;
	s5 =	sadd.s32 s22, s3  }
0x15: {  	[timem:s7], [sflag:s23] =	dma.local [hbm:s5], s21  }
0x16: {  	_ =	swait.ge [sflag:s23], s21  }
0x17: {  	s4 =	ssub.s32 $0x0, s21;
	[sflag:s23] =	ssyncset.done $0x0  }
0x18: {  	[sflag:s23] =	ssyncadd.s32 s4;
	_ =	sdelay $0x1  }
0x19: {  	s24 =	simm.s32 $0x1B8B  }
0x1a: {  	_ =	swait.ge [sflag:s24], $0x1  }
0x1b: {  	[sflag:s24] =	ssyncset.done $0x0  }
0x1c: {  	s26 =	simm.s32 $0x1B8E;
	s25 =	sld [smem:$0x3FFE];
	[sflag:s24] =	ssyncadd.s32 $0xFFFFFFFF  }
0x1d: {  	s27 =	simm.s32 $execute0_lowered;
	[smem:$0x3FD2] =	sst s26  }
0x1e: {  	s5 =	sshll.u32 s27, $0x1;
	_ =	strace $0x80000049;
	[dreg:$0x1] =	wrdreg $0xFFFFFFFF  }
0x1f: {  	s28 =	simm.s32 $_size_execute0_lowered;
	s3 =	sadd.s32 s3, s5;
	[dreg:$0x0] =	wrdreg $0x0  }
0x20: {  	s5 =	sshll.u32 s28, $0x1;
	[dreg:$0x2] =	wrdreg s3  }
0x21: {  	[dreg:$0x3] =	wrdreg s5  }
0x22: {  	[dreg:$0x4] =	wrdreg $0xC0  }
0x23: {  	_ =	task [dreg:s7], $0x5FFFF  }
0x24: {  	[dreg:$0x1] =	wrdreg $0xFFFFFFFF  }
0x25: {  	[dreg:$0x0] =	wrdreg $0x60  }
0x26: {  	[dreg:$0x2] =	wrdreg s25  }
0x27: {  	[dreg:$0x3] =	wrdreg s2  }
0x28: {  	[dreg:$0x4] =	wrdreg $0x9  }
0x29: {  	_ =	task.clear_ibuf [dreg:s7], $0x5FFFF;
	_ =	strace $0x90000049  }
0x2a: {  	s29 =	simm.s32 $0x9;
	_ =	strace $0x8000004B  }
0x2b: {  	_ =	swait.ge [sflag:s29], $0x1  }
0x2c: {  	[sflag:s29] =	ssyncadd.s32 $0xFFFFFFFF  }
0x2d: {  	_ =	strace $0x9000004B  }
0x2e: {  	_ =	sfence  }
0x2f: {  	s30 =	sld [smem:$0x0];
	_ =	sdelay $0x2  }
0x30: {  	s31 =	sshll.u32 s1, $0xD;
	s1 =	sshrl.u32 s1, $0x2  }
0x31: {  	s3 =	sand.u32 $0x4000, s31;
	s1 =	sadd.s32 s1, s30  }
0x32: {  	s0 =	sor.u32 s3, s0;
	s1 =	sshll.u32 s1, $0x11  }
0x33: {  	s0 =	sor.u32 s1, s0  }
0x34: {  	s0 =	sadd.s32 $0x8F2B, s0  }
0x35: {  	[sflag:s0] =	ssyncadd.remote.s32 $0x1  }
0x36: {  	_ =	sfence.sel $0xFFFF  }
0x37: {  	[dreg:$0x0] =	wrdreg $0xFFFFFFFF;
	(pc) =	sbr.abs _section_cstart, $3  }
0x38: {  	[dreg:$0x1] =	wrdreg $0xFFFFFFFF  }
0x39: {  	_ =	task.clear_ibuf [dreg:s7], $0x2FFFF;
	_ =	strace $0x9FFFFFFF  }
0x3a: {  	(tm) =	ssettm $0x7FFFFFFF  }
0x3b: {  	_ =	shalt  }
tec
execute0_lowered:
.L_overlay_start_1:
0x0: {  	(tag) =	ssettag $0x1  }
0x1: {  	s0 =	srdreg.scid;
	s5 =	rddreg [dreg:$0x0]  }
0x2: {  	s3 =	rddreg [dreg:$0x1];
	s1 =	sshll.u32 s0, $0x4  }
0x3: {  	s7 =	simm.s32 $0x1;
	s0 =	stileid.u32;
	s1 =	sand.u32 $0x10, s1  }
0x4: {  	s8 =	simm.s32 $0x2;
	s15 =	simm.s32 $0x0;
	s1 =	sor.u32 s0, s1  }
0x5: {  	s14 =	simm.s32 $0x0;
	s9 =	simm.s32 $0x0;
	s2 =	sshll.u32 s1, $0x7  }
0x6: {  	s10 =	simm.s32 $0x0;
	s11 =	simm.s32 $0x0;
	s6 =	ssub.s32 $0x4000, s2  }
0x7: {  	s13 =	simm.s32 $0x0;
	s5 =	sadd.s32 $0x80C00, s5;
	s4 =	sand.u32 $0xF80, s6  }
.Ltmp0:
0x8: {  	s1 =	rddreg [dreg:$0x2];
	p0 =	sne.s32 s4, $0x0;
	(pc) =	sbr.rel .LBB1_1-.Ltmp0, $4  }
0x9: {  	_ =	strace $0x8000004A;
	s6 =	sshrl.u32 s6, $0xC;
	s7 =	simm.s32 @!p0 $0x0  }
0xa: {  	s12 =	smov.u32 s2;
	s4 =	simm.s32 $0x1;
	s6 =	sadd.s32 s7, s6  }
0xb: {  	[sflag:s4] =	ssyncpa.u1 $0x0;
	p0 =	por $0x0, $0x0;
	s6 =	sshll.u32 s6, $0x3  }
0xc: {  	[sflag:s8] =	ssyncpa.u1 $0x0;
	s8 =	simm.s32 $0x20000;
	s7 =	sor.u32 $0x1, s6  }
.LBB1_4:
0xd: {  	s20 =	sshra.s32 s20, $0x2  }
0xe: {  	s28 =	sand.u32 $0x78, s10;
	s21 =	sshll.u32 s9, $0xE;
	s22 =	sshll.u32 s10, $0x3  }
0xf: {  	s24 =	sshll.u32 s9, $0x7;
	p1 =	sgt.s32 s9, $0x368;
	s30 =	sshra.s32 s9, $0x1F  }
0x10: {  	s26 =	sshra.s32 s10, $0x1F;
	s19 =	sadd.s32 s20, s19;
	s21 =	sand.u32 $0xFFFE0000, s21  }
0x11: {  	v5 =	vld [tilespmem:s17+$0xFFFFFFD0];
	[tilespmem:s18+$0x2040 ss:$0x81] =	vst.msk $0xffff, v4;
	s23 =	sand.u32 $0xFFFFFC00, s22;
	s29 =	sand.u32 $0x380, s24;
	s22 =	sand.u32 $0x3C00, s22  }
0x12: {  	v58 =	vld [tilespmem:s17+$0xFFFFFFE0];
	[tilespmem:s18+$0x2850 ss:$0x81] =	vst.msk $0xffff, v3;
	s21 =	sadd.s32 s23, s21;
	s20 =	sor.u32 s28, s22;
	s22 =	smov.u32 s9  }
0x13: {  	v59 =	vld [tilespmem:s17+$0xFFFFFFF0];
	[tilespmem:s18+$0x3060 ss:$0x81] =	vst.msk $0xffff, v2;
	s24 =	sand.u32 s30, s9;
	s21 =	sshrl.u32 s21, $0xE;
	s22 =	simm.s32 @!p1 $0x368  }
0x14: {  	v60 =	vld [tilespmem:s17+$0x0];
	[tilespmem:s18+$0x0 ss:$0x81] =	vst.msk $0xffff, v1;
	p1 =	sgt.s32 s10, $0x3F80;
	s31 =	ssub.s32 s22, s24;
	s22 =	smov.u32 s10  }
0x15: {  	v61 =	vld [tilespmem:s17+$0x10];
	[tilespmem:s19+$0x3870 ss:$0x81] =	vst.msk $0xffff, v0;
	s25 =	smulhi.u32 $0x418938, s21;
	s24 =	sand.u32 s26, s10;
	s22 =	simm.s32 @!p1 $0x3F80  }
0x16: {  	v62 =	vld [tilespmem:s17+$0x20];
	s20 =	sor.u32 s29, s20;
	[tilespmem:s19+$0x810 ss:$0x81] =	vst.msk $0xffff, v5;
	s27 =	sadd.s32 $0xFFFFFC98, s31;
	s22 =	ssub.s32 s22, s24  }
0x17: {  	v63 =	vld [tilespmem:s17+$0xFFFFFFC0];
	[tilespmem:s19+$0x1020 ss:$0x81] =	vst.msk $0xffff, v58;
	s18 =	ssub.s32 $0x3E8, s31;
	s28 =	smul.u32 $0x3E8, s25;
	s29 =	sadd.s32 $0xFFFFC080, s22  }
0x18: {  	[tilespmem:s19+$0x1830 ss:$0x81] =	vst.msk $0xffff, v59;
	p1 =	sgt.s32 s27, $0x7F;
	s22 =	ssub.s32 $0x4000, s22;
	p2 =	sgt.s32 s29, $0x7F  }
0x19: {  	s30 =	sand.u32 $0x7, s10;
	[tilespmem:s19+$0x2040 ss:$0x81] =	vst.msk $0xffff, v60;
	s18 =	simm.s32 @p1 $0x0;
	s22 =	simm.s32 @p2 $0x0  }
0x1a: {  	s20 =	sshrl.u32 s20, $0x3;
	[tilespmem:s19+$0x2850 ss:$0x81] =	vst.msk $0xffff, v61;
	s17 =	ssub.s32 s21, s28;
	s18 =	smul.u32 s22, s18  }
0x1b: {  	[tilespmem:s19+$0x3060 ss:$0x81] =	vst.msk $0xffff, v62;
	s20 =	sadd.s32 s3, s20;
	s21 =	sshll.u32 s30, $0x12;
	s17 =	sshll.u32 s17, $0xB  }
0x1c: {  	[tilespmem:s19+$0x0 ss:$0x81] =	vst.msk $0xffff, v63;
	s31 =	sor.u32 $0x400, s21;
	s17 =	sadd.s32 s17, s20;
	s18 =	sand.u32 $0x3FFFFFFF, s18  }
0x1d: {  	[hbm4b:s17+s31] =	stream.strided.scatter [tilespmem:s16], [sflag:$0x2], s18, s8, s31, $0x20;
	[tilespmem:$0x10100] =	vst v63  }
.LBB1_5:
0x1e: {  	p1 =	slt.u32 s13, $0x2  }
0x1f: {  	s17 =	smov.u32 s15;
	p2 =	sgt.s32 @!p1 s15, $0x368;
	s16 =	sshra.s32 @!p1 s15, $0x1F  }
0x20: {  	p3 =	sgt.s32 @!p1 s14, $0x3F80;
	s18 =	sshra.s32 @!p1 s14, $0x1F;
	p2 =	por !p2, p1  }
0x21: {  	s15 =	sand.u32 @!p1 s16, s15;
	p3 =	por !p3, p1;
	s16 =	smov.u32 s14  }
0x22: {  	s14 =	sand.u32 @!p1 s18, s14;
	s17 =	simm.s32 @p2 $0x368;
	s16 =	simm.s32 @p3 $0x3F80  }
0x23: {  	s15 =	ssub.s32 @!p1 s17, s15;
	s14 =	ssub.s32 @!p1 s16, s14  }
0x24: {  	s18 =	smov.u32 s12;
	s16 =	sadd.s32 @!p1 $0xFFFFFC98, s15;
	s17 =	sadd.s32 @!p1 $0xFFFFC080, s14  }
0x25: {  	s15 =	ssub.s32 @!p1 $0x3E8, s15;
	p2 =	sgt.s32 @!p1 s16, $0x7F;
	p3 =	sgt.s32 @!p1 s17, $0x7F  }
0x26: {  	s14 =	ssub.s32 @!p1 $0x4000, s14;
	p2 =	por !p2, p1;
	p3 =	por !p3, p1  }
0x27: {  	s16 =	sadd.s32 $0x80, s11;
	s15 =	simm.s32 @!p2 $0x0;
	s14 =	simm.s32 @!p3 $0x0  }
0x28: {  	p2 =	sgt.s32 s16, $0x3E7;
	s14 =	smul.u32 @!p1 s14, s15;
	s15 =	sadd.s32 $0x1000, s12  }
0x29: {  	s18 =	smov.u32 @p2 s15  }
0x2a: {  	s16 =	simm.s32 @p2 $0x0;
	p2 =	sgt.s32 s18, $0x3FFF  }
0x2b: {  	s18 =	smov.u32 @p2 s2;
	p2 =	sne.s32 s13, s7  }
.Ltmp1:
0x2c: {  	p0 =	por !p0, !p0;
	s17 =	simm.s32 @!p1 $0x2;
	(pc) =	sbr.rel @!p2 .LBB1_6-.Ltmp1, $4  }
0x2d: {  	s15 =	smov.u32 s9;
	s9 =	smov.u32 s11;
	s14 =	sand.u32 @!p1 $0x3FFFFFFF, s14  }
0x2e: {  	s11 =	smov.u32 s16;
	_ =	swait.ge @!p1 [sflag:s17], s14;
	s19 =	ssub.s32 @!p1 $0x0, s14  }
0x2f: {  	s14 =	smov.u32 s10;
	s13 =	sadd.s32 $0x1, s13;
	[sflag:s17] =	ssyncset.done @!p1 $0x0  }
0x30: {  	s10 =	smov.u32 s12;
	s12 =	smov.u32 s18;
	[sflag:s17] =	ssyncadd.s32 @!p1 s19  }
.LBB1_1:
0x31: {  	p1 =	sge.u32 s13, s6  }
0x32: {  	s31 =	sadd.s32 $0xFFFFFFFF, s13;
	s16 =	sshll.u32 @!p1 s12, $0xA  }
0x33: {  	s17 =	sshll.u32 @!p1 s11, $0x3;
	s18 =	sshll.u32 @!p1 s12, $0x7;
	s16 =	sand.u32 @!p1 $0xFFE000, s16  }
0x34: {  	s19 =	sand.u32 @!p1 $0x78, s11;
	s16 =	sadd.s32 @!p1 s16, s17;
	s17 =	sand.u32 @!p1 $0x380, s18  }
0x35: {  	s18 =	sxor.u32 @!p1 $0xFFFFFFFF, s13;
	s16 =	sand.u32 @!p1 $0xFFFC00, s16;
	s17 =	sor.u32 @!p1 s17, s19  }
0x36: {  	s18 =	sshll.u32 @!p1 s18, $0xE;
	s16 =	sor.u32 @!p1 s16, s17;
	s17 =	sand.u32 @!p1 $0x7, s11  }
0x37: {  	s19 =	simm.s32 @!p1 $0x2000;
	s16 =	sshrl.u32 @!p1 s16, $0x3;
	s17 =	sshll.u32 @!p1 s17, $0x12  }
0x38: {  	s18 =	sand.u32 @!p1 $0x4000, s18;
	s16 =	sadd.s32 @!p1 s5, s16;
	s17 =	sor.u32 @!p1 $0x400, s17  }
0x39: {  	[tilespmem:s18], [sflag:$0x1] =	stream.strided.gather @!p1 [hbm4b:s16+s17], $0x4000, s19, s17, $0x38;
	[tilespmem:$0x10100] =	vst v63  }
0x3a: {  	p1 =	sge.u32 s31, s6  }
.Ltmp2:
0x3b: {  	_ = 	snop;
	(pc) =	sbr.rel @p1 .LBB1_5-.Ltmp2, $1  }
0x3c: {  	_ =	sdelay $0x3  }
0x3d: {  	s16 =	simm.s32 $0x1  }
0x3e: {  	_ =	swait.ge [sflag:s4], $0x4000;
	s16 =	simm.s32 @!p0 $0x0  }
0x3f: {  	[sflag:s4] =	ssyncset.done $0x0;
	s17 =	sshll.u32 s16, $0xE  }
0x40: {  	[sflag:s4] =	ssyncadd.s32 $0xFFFFC000;
	s17 =	sor.u32 $0x40, s17  }
0x41: {  	s16 =	smul.u32 $0x10200, s16;
	v0 =	vld [tilespmem:s17+$0x30]  }
0x42: {  	v1 =	vld [tilespmem:s17+$0xFFFFFFD0]  }
0x43: {  	s16 =	sshrl.u32 s16, $0x2;
	v5 =	vld [tilespmem:s17+$0xFFFFFFE0]  }
0x44: {  	v6 =	vld [tilespmem:s17+$0xFFFFFFF0];
	s19 =	sor.u32 $0x8000, s16  }
0x45: {  	s31 =	sand.u32 $0x1, s13;
	v4 =	vld [tilespmem:s17+$0x0];
	s18 =	sadd.s32 $0x0, s19  }
0x46: {  	v3 =	vld [tilespmem:s17+$0x10];
	s16 =	smul.u32 $0x10200, s31;
	[tilespmem:s18+$0x3870 ss:$0x81] =	vst.msk $0xffff, v0  }
0x47: {  	v2 =	vld [tilespmem:s17+$0x20];
	[tilespmem:s18+$0x810 ss:$0x81] =	vst.msk $0xffff, v1  }
0x48: {  	s16 =	sshrl.u32 s16, $0x2;
	v1 =	vld [tilespmem:s17+$0xFFFFFFC0];
	[tilespmem:s18+$0x1020 ss:$0x81] =	vst.msk $0xffff, v5;
	s17 =	sadd.s32 $0x80, s17  }
0x49: {  	s20 =	simm.s32 $0x4;
	s21 =	simm.s32 $0x8;
	s16 =	sor.u32 $0x8000, s16;
	[tilespmem:s18+$0x1830 ss:$0x81] =	vst.msk $0xffff, v6;
	v0 =	vld [tilespmem:s17+$0x30]  }
.LBB1_3:
0x4a: {  	p1 =	sne.s32 s21, $0x1FC;
	v5 =	vld [tilespmem:s17+$0xFFFFFFD0];
	[tilespmem:s18+$0x2040 ss:$0x81] =	vst.msk $0xffff, v4  }
0x4b: {  	v6 =	vld [tilespmem:s17+$0xFFFFFFE0];
	[tilespmem:s18+$0x2850 ss:$0x81] =	vst.msk $0xffff, v3  }
0x4c: {  	s22 =	sshra.s32 s20, $0x2;
	s20 =	smov.u32 s21;
	v7 =	vld [tilespmem:s17+$0xFFFFFFF0];
	[tilespmem:s18+$0x3060 ss:$0x81] =	vst.msk $0xffff, v2  }
.Ltmp3:
0x4d: {  	v4 =	vld [tilespmem:s17+$0x0];
	[tilespmem:s18+$0x0 ss:$0x81] =	vst.msk $0xffff, v1;
	s18 =	sadd.s32 s22, s19;
	(pc) =	sbr.rel @p1 .LBB1_3-.Ltmp3, $4  }
0x4e: {  	v3 =	vld [tilespmem:s17+$0x10];
	[tilespmem:s18+$0x3870 ss:$0x81] =	vst.msk $0xffff, v0  }
0x4f: {  	[tilespmem:s18+$0x810 ss:$0x81] =	vst.msk $0xffff, v5;
	v2 =	vld [tilespmem:s17+$0x20]  }
0x50: {  	v1 =	vld [tilespmem:s17+$0xFFFFFFC0];
	[tilespmem:s18+$0x1020 ss:$0x81] =	vst.msk $0xffff, v6;
	s17 =	sadd.s32 $0x80, s17  }
0x51: {  	s21 =	sadd.s32 $0x4, s21;
	v0 =	vld [tilespmem:s17+$0x30];
	[tilespmem:s18+$0x1830 ss:$0x81] =	vst.msk $0xffff, v7  }
.Ltmp4:
0x52: {  	_ = 	snop;
	(pc) =	sbr.rel .LBB1_4-.Ltmp4, $1  }
0x53: {  	_ =	sdelay $0x3  }
.LBB1_6:
0x54: {  	_ =	sfence.sel $0x180000  }
0x55: {  	s2 =	simm.s32 $0x1;
	[bflag:$0x0] =	sbarrier.arrive $0xFFFF  }
0x56: {  	s31 =	simm.s32 $0x2;
	[sflag:s2] =	ssyncpa.u1 $0x1  }
0x57: {  	[sflag:s31] =	ssyncpa.u1 $0x1  }
0x58: {  	p0 =	sne.s32 s0, $0x0;
	_ =	strace $0x9000004A  }
0x59: {  	s0 =	sadd.s32 @!p0 $0x100000, s1;
	[bflag:$0x2] =	sbarrier.arrive $0xFFFF  }
0x5a: {  	[sflag:s0] =	ssyncadd.tile.s32 @!p0 $0x1;
	_ =	shalt  }
.Lfunc_end1:
_tile_overlayer_lowered:
.L_overlay_start_2:
0x5b: {  	(tag) =	ssettag $0x2  }
0x5c: {  	s0 =	rddreg [dreg:$0x0];
	s2 =	stileid.u32  }
0x5d: {  	s1 =	rddreg [dreg:$0x1];
	p0 =	sne.s32 s2, $0x0  }
0x5e: {  	s3 =	rddreg [dreg:$0x2];
	[bflag:$0x3] =	sbarrier.arrive $0xFFFF;
	s2 =	simm.s32 @!p0 $0x1C01  }
0x5f: {  	[timem:s3], [sflag:s2] =	dma.local @!p0 [hbm:s0], s1  }
0x60: {  	s0 =	simm.s32 @!p0 $0x1  }
0x61: {  	_ =	swait.ge @!p0 [sflag:s0], s1  }
0x62: {  	s1 =	ssub.s32 @!p0 $0x0, s1;
	[sflag:s0] =	ssyncset.done @!p0 $0x0  }
0x63: {  	[sflag:s0] =	ssyncadd.s32 @!p0 s1  }
0x64: {  	[bflag:$0x3] =	sbarrier.arrive $0xFFFF  }
0x65: {  	_ =	shalt  }

</sc_bundles>
